<compile_context>
chip_gen: v7x
topology: tpu7x:2x2x1
jax: 0.10.2.dev20260603
libtpu: 0.0.44.dev20260713+nightly
codegen_flags: <defaults>
</compile_context>

<pallas_src>
import functools

import jax
import jax.numpy as jnp
from jax import lax
from jax.experimental import pallas as pl
from jax.experimental.pallas import tpu as pltpu
from jax.experimental.pallas import tpu_sc as plsc

_B, _N, _K, _H = 8, 1024, 20, 64
_NT = 4
_TN = _N // _NT
_EPS = 1e-5
_CNT0 = float(_B * _N * _K)
_CNT2 = float(_B * _N)

_WPB = 4
_KPW = _K // _WPB


def _leaky(v):
    return jnp.where(v >= 0, v, 0.2 * v)


def _knn_kernel(x_ref, idx_ref):
    xr = x_ref[0]
    G = lax.dot_general(xr, xr, (((0,), (0,)), ((), ())),
                        preferred_element_type=jnp.float32)
    xx_row = jnp.sum(xr * xr, axis=0, keepdims=True)
    xx_col = jnp.transpose(xx_row)
    inner = -2.0 * G
    score = (-xx_row - inner) - xx_col
    rowid = lax.broadcasted_iota(jnp.int32, (_N, _N), 0)
    for t in range(_K):
        j = jnp.argmax(score, axis=0, keepdims=True)
        idx_ref[0, t] = j[0]
        score = jnp.where(rowid == j, -jnp.inf, score)


_sc_mesh = plsc.VectorSubcoreMesh(core_axis_name="c", subcore_axis_name="s")


@functools.partial(
    pl.kernel,
    mesh=_sc_mesh,
    compiler_params=pltpu.CompilerParams(needs_layout_passes=False),
    out_type=jax.ShapeDtypeStruct((_B, _K * _N * 8), jnp.float32),
    scratch_types=[
        pltpu.VMEM((8 * _N,), jnp.float32),
        pltpu.VMEM((_KPW * _N,), jnp.int32),
        pltpu.VMEM((_KPW * _N * 8,), jnp.float32),
    ],
)
def _sc_gather(x8_hbm, idx_hbm, out_hbm, table_v, idx_v, rows_v):
    wid = lax.axis_index("s") * 2 + lax.axis_index("c")
    b = wid // _WPB
    m = wid % _WPB
    pltpu.sync_copy(x8_hbm.at[b], table_v)
    pltpu.sync_copy(idx_hbm.at[b, pl.ds(m * _KPW * _N, _KPW * _N)], idx_v)
    lanes8 = lax.iota(jnp.int32, 16) * 8
    for kk in range(_KPW):

        def body(g, carry, kk=kk):
            pos = g * 16
            idx16 = idx_v[pl.ds(kk * _N + pos, 16)]
            dbase = 8 * (kk * _N + pos)
            for c in range(8):
                vals = plsc.load_gather(table_v, [idx16 + (c * _N)])
                plsc.store_scatter(rows_v, [lanes8 + (dbase + c)], vals)
            return carry

        lax.fori_loop(0, _N // 16, body, 0)
    pltpu.sync_copy(rows_v, out_hbm.at[b, pl.ds(m * _KPW * _N * 8, _KPW * _N * 8)])


def _feat_kernel(xt_ref, xj_ref, w0at_ref, wbat_ref, w1f_ref,
                 x1_ref, s1_ref, ss1_ref, s0_v, ss0_v):
    ph = pl.program_id(0)
    b = pl.program_id(1)
    i = pl.program_id(2)
    first = jnp.logical_and(b == 0, i == 0)
    xi = xt_ref[0]
    xj = xj_ref[0]
    xjf = xj.reshape(_K * _TN, 8)

    @pl.when(jnp.logical_and(ph == 0, first))
    def _init0():
        s0_v[...] = jnp.zeros_like(s0_v)
        ss0_v[...] = jnp.zeros_like(ss0_v)

    @pl.when(ph == 0)
    def _stats0():
        bterm = jnp.dot(xi, wbat_ref[...], preferred_element_type=jnp.float32)
        y0 = (jnp.dot(xjf, w0at_ref[...], preferred_element_type=jnp.float32)
              .reshape(_K, _TN, _H) + bterm[None])
        sxj = jnp.sum(xjf, axis=0, keepdims=True)
        sxi = jnp.sum(xi, axis=0, keepdims=True)
        s0_v[...] += (jnp.dot(sxj, w0at_ref[...],
                              preferred_element_type=jnp.float32)
                      + float(_K) * jnp.dot(sxi, wbat_ref[...],
                                            preferred_element_type=jnp.float32))
        y0sq = (y0 * y0).reshape(_K * _TN, _H)
        ss0_v[...] += jnp.sum(y0sq, axis=0, keepdims=True)

    @pl.when(ph == 1)
    def _main():
        m0 = s0_v[...] / _CNT0
        v0 = ss0_v[...] / _CNT0 - m0 * m0
        r0 = 1.0 / jnp.sqrt(v0 + _EPS)
        w0s = w0at_ref[...] * r0
        bts = (jnp.dot(xi, wbat_ref[...], preferred_element_type=jnp.float32)
               * r0 - m0 * r0)
        y0n = _leaky(
            jnp.dot(xjf, w0s, preferred_element_type=jnp.float32)
            .reshape(_K, _TN, _H) + bts[None])
        y0f = y0n.reshape(_K * _TN, _H)
        acc = jnp.zeros((_K, _TN, _H), jnp.float32)
        for c in range(6):
            contrib = (jnp.dot(y0f, w1f_ref[c],
                               preferred_element_type=jnp.float32)
                       .reshape(_K, _TN, _H))
            if c < 3:
                pc = xj[:, :, c:c + 1] - xi[None, :, c:c + 1]
            else:
                pc = jnp.broadcast_to(xi[None, :, c - 3:c - 2], (_K, _TN, 1))
            acc = acc + contrib * pc
        x1_ref[0] = jnp.max(acc, axis=0)

        @pl.when(first)
        def _init1():
            s1_ref[...] = jnp.zeros_like(s1_ref)
            ss1_ref[...] = jnp.zeros_like(ss1_ref)

        accf = acc.reshape(_K * _TN, _H)
        s1_ref[...] += jnp.sum(accf, axis=0, keepdims=True)
        ss1_ref[...] += jnp.sum(accf * accf, axis=0, keepdims=True)


def _head_kernel(x1_ref, s1_ref, ss1_ref, wct_ref, out_ref):
    m1 = s1_ref[...] / _CNT0
    v1 = ss1_ref[...] / _CNT0 - m1 * m1
    r1 = 1.0 / jnp.sqrt(v1 + _EPS)
    x1 = x1_ref[...].reshape(_B * _N, _H)
    x1n = _leaky((x1 - m1) * r1)
    tt = jnp.dot(x1n, wct_ref[...], preferred_element_type=jnp.float32)
    m2 = jnp.sum(tt, axis=0, keepdims=True) / _CNT2
    v2 = jnp.sum(tt * tt, axis=0, keepdims=True) / _CNT2 - m2 * m2
    out = _leaky((tt - m2) * (1.0 / jnp.sqrt(v2 + _EPS)))
    out_ref[...] = out.reshape(_B, _N, 8)


def kernel(x, W0, W1, Wc):
    xt = jnp.pad(jnp.transpose(x, (0, 2, 1)), ((0, 0), (0, 0), (0, 5)))
    x8 = jnp.pad(x, ((0, 0), (0, 5), (0, 0)))
    W0a = W0[:, :3]
    W0b = W0[:, 3:]
    w0at = jnp.pad(W0a.T, ((0, 5), (0, 0)))
    wbat = jnp.pad((W0b - W0a).T, ((0, 5), (0, 0)))
    w1f = jnp.transpose(W1.reshape(_H, 6, _H), (1, 2, 0))
    wct = jnp.pad(Wc.T, ((0, 0), (0, 5)))

    idx = pl.pallas_call(
        _knn_kernel,
        grid=(_B,),
        in_specs=[pl.BlockSpec((1, 3, _N), lambda b: (b, 0, 0))],
        out_specs=pl.BlockSpec((1, _K, _N), lambda b: (b, 0, 0)),
        out_shape=jax.ShapeDtypeStruct((_B, _K, _N), jnp.int32),
    )(x)

    xj = _sc_gather(x8.reshape(_B, 8 * _N),
                    idx.reshape(_B, _K * _N)).reshape(_B, _K, _N, 8)

    x1, s1, ss1 = pl.pallas_call(
        _feat_kernel,
        grid=(2, _B, _NT),
        in_specs=[pl.BlockSpec((1, _TN, 8), lambda p, b, i: (b, i, 0)),
                  pl.BlockSpec((1, _K, _TN, 8), lambda p, b, i: (b, 0, i, 0)),
                  pl.BlockSpec((8, _H), lambda p, b, i: (0, 0)),
                  pl.BlockSpec((8, _H), lambda p, b, i: (0, 0)),
                  pl.BlockSpec((6, _H, _H), lambda p, b, i: (0, 0, 0))],
        out_specs=[pl.BlockSpec((1, _TN, _H), lambda p, b, i: (b, i, 0)),
                   pl.BlockSpec((1, _H), lambda p, b, i: (0, 0)),
                   pl.BlockSpec((1, _H), lambda p, b, i: (0, 0))],
        out_shape=[jax.ShapeDtypeStruct((_B, _N, _H), jnp.float32),
                   jax.ShapeDtypeStruct((1, _H), jnp.float32),
                   jax.ShapeDtypeStruct((1, _H), jnp.float32)],
        scratch_shapes=[pltpu.VMEM((1, _H), jnp.float32),
                        pltpu.VMEM((1, _H), jnp.float32)],
    )(xt, xj, w0at, wbat, w1f)

    res = pl.pallas_call(
        _head_kernel,
        out_shape=jax.ShapeDtypeStruct((_B, _N, 8), jnp.float32),
    )(x1, s1, ss1, wct)
    return jnp.transpose(res[:, :, :3], (0, 2, 1))

# --- scband reference (transcript-rebuilt; emitter-appended) ---
"""Pipeline reference for scband-get-model-16922171146624 (READ-ONLY COPY).

The authoritative reference and input builder live on the scoring server;
editing this copy changes nothing except your own understanding.
"""

import jax, jax.numpy as jnp
import numpy as np

B, N, K = 8, 1024, 20


def _bn(x, axes):
    m = jnp.mean(x, axis=axes, keepdims=True)
    v = jnp.var(x, axis=axes, keepdims=True)
    return (x - m) / jnp.sqrt(v + 1e-5)


def _leaky(x):
    return jnp.where(x >= 0, x, 0.2 * x)


def _knn(x, k):
    # x: [B, C, N]; pairwise negative squared distance, top-k neighbor indices
    inner = -2.0 * jnp.einsum('bcn,bcm->bnm', x, x)
    xx = jnp.sum(x * x, axis=1)  # [B, N]
    pd = -xx[:, :, None] - inner - xx[:, None, :]
    _, idx = jax.lax.top_k(pd, k)
    return idx  # [B, N, k]


def _graph_feature(x, idx):
    # x: [B, C, N]; idx: [B, N, k]
    xt = jnp.transpose(x, (0, 2, 1))  # [B, N, C]
    b = jnp.arange(xt.shape[0])[:, None, None]
    feat = xt[b, idx]  # [B, N, k, C] gather of neighbor features
    xc = jnp.broadcast_to(xt[:, :, None, :], feat.shape)
    out = jnp.concatenate([feat - xc, xc], axis=-1)  # [B, N, k, 2C]
    return jnp.transpose(out, (0, 3, 1, 2))  # [B, 2C, N, k]


def setup_inputs(seed: int = 0) -> dict:
    key = jax.random.key(seed)
    k1, k2, k3, k4 = jax.random.split(key, 4)
    x = jax.random.normal(k1, (B, 3, N), dtype=jnp.float32)
    W0 = jax.random.normal(k2, (64, 6), dtype=jnp.float32) * (1.0 / np.sqrt(6.0))
    W1 = jax.random.normal(k3, (64 * 6, 64), dtype=jnp.float32) * (1.0 / np.sqrt(64.0))
    Wc = jax.random.normal(k4, (3, 64), dtype=jnp.float32) * (1.0 / np.sqrt(64.0))
    return {"x": x, "W0": W0, "W1": W1, "Wc": Wc}


def reference(x, W0, W1, Wc):
    # knn + graph feature construction (DGCNN-style); idx reused for points == x
    idx = _knn(x, K)
    xf = _graph_feature(x, idx)  # [B, 6, N, K]
    p = xf  # get_graph_feature(points, idx=idx) with points == x gives identical tensor
    # AGConv(in_channels=6, out_channels=64, feat_channels=6): forward(x=p, y=xf)
    y = jnp.einsum('oc,bcnk->bonk', W0, xf)          # conv0 1x1: 6 -> 64
    y = _leaky(_bn(y, (0, 2, 3)))                     # bn0 + leaky_relu(0.2)
    y = jnp.einsum('oc,bcnk->bonk', W1, y)            # conv1 1x1: 64 -> 64*6
    y = jnp.transpose(y, (0, 2, 3, 1)).reshape(B, N, K, 64, 6)
    xp = jnp.transpose(p, (0, 2, 3, 1))[..., None]    # [B, N, K, 6, 1]
    out = jnp.squeeze(jnp.matmul(y, xp), -1)          # adaptive kernel matmul -> [B, N, K, 64]
    out = jnp.transpose(out, (0, 3, 1, 2))            # [B, 64, N, K]
    out = _leaky(_bn(out, (0, 2, 3)))                 # bn1 + leaky_relu
    x1 = jnp.max(out, axis=-1)                        # max over k -> [B, 64, N]
    out = jnp.einsum('oc,bcn->bon', Wc, x1)           # conv1 1x1: 64 -> 3
    out = _leaky(_bn(out, (0, 2)))                    # bn1 (1d) + leaky_relu
    return out  # [B, 3, N]

if __name__ == "__main__":
    import jax
    _d = setup_inputs()
    print(jax.jit(kernel)(*tuple(_d.values())))

</pallas_src>

<mosaic_0001>
#map = affine_map<(d0, d1) -> (0, 0)>
module attributes {stable_mosaic.version = 14 : i64} {
  func.func @_sc_gather(%arg0: i32, %arg1: i32, %arg2: memref<8x8192xf32, #tpu.memory_space<hbm>>, %arg3: memref<8x20480xi32, #tpu.memory_space<hbm>>, %arg4: memref<8x163840xf32, #tpu.memory_space<hbm>>, %arg5: memref<8192xf32, #tpu.memory_space<vmem>>, %arg6: memref<5120xi32, #tpu.memory_space<vmem>>, %arg7: memref<40960xf32, #tpu.memory_space<vmem>>) attributes {dimension_semantics = [#tpu.dimension_semantics<core_parallel>, #tpu.dimension_semantics<subcore_parallel>], iteration_bounds = array<i64: 2, 16>, scalar_prefetch = 0 : i64, scratch_operands = 3 : i64, tpu.core_type = #tpu.core_type<sc_vector_subcore>, window_params = [{transform_indices = #map}, {transform_indices = #map}, {transform_indices = #map}]} {
    %mul3A = arith.constant 2 : i32
    %mul3A_0 = arith.muli %arg1, %mul3A : i32
    %add3A = arith.addi %mul3A_0, %arg0 : i32
    %jit3A = arith.constant 4 : i32
    %div3A = arith.divsi %add3A, %jit3A : i32
    %sign3A = arith.constant 0 : i32
    %sign3A_1 = arith.cmpi sgt, %add3A, %sign3A : i32
    %sign3A_2 = arith.extui %sign3A_1 : i1 to i32
    %sign3A_3 = arith.constant 0 : i32
    %sign3A_4 = arith.cmpi slt, %add3A, %sign3A_3 : i32
    %sign3A_5 = arith.extui %sign3A_4 : i1 to i32
    %sign3A_6 = arith.subi %sign3A_2, %sign3A_5 : i32
    %sign3A_7 = arith.constant 0 : i32
    %sign3A_8 = arith.cmpi sgt, %jit3A, %sign3A_7 : i32
    %sign3A_9 = arith.extui %sign3A_8 : i1 to i32
    %sign3A_10 = arith.constant 0 : i32
    %sign3A_11 = arith.cmpi slt, %jit3A, %sign3A_10 : i32
    %sign3A_12 = arith.extui %sign3A_11 : i1 to i32
    %sign3A_13 = arith.subi %sign3A_9, %sign3A_12 : i32
    %ne3A = arith.cmpi ne, %sign3A_6, %sign3A_13 : i32
    %rem3A = arith.remsi %add3A, %jit3A : i32
    %ne3A_14 = arith.constant 0 : i32
    %ne3A_15 = arith.cmpi ne, %rem3A, %ne3A_14 : i32
    %and3A = arith.andi %ne3A, %ne3A_15 : i1
    %sub3A = arith.constant 1 : i32
    %sub3A_16 = arith.subi %div3A, %sub3A : i32
    %select_n3A = arith.select %and3A, %sub3A_16, %div3A : i32
    %jit3A_17 = arith.constant 4 : i32
    %eq3A = arith.constant 0 : i32
    %eq3A_18 = arith.cmpi eq, %jit3A_17, %eq3A : i32
    %jit3A_19 = arith.constant 1 : i32
    %select_n3A_20 = arith.select %eq3A_18, %jit3A_19, %jit3A_17 : i32
    %rem3A_21 = arith.remsi %add3A, %select_n3A_20 : i32
    %ne3A_22 = arith.constant 0 : i32
    %ne3A_23 = arith.cmpi ne, %rem3A_21, %ne3A_22 : i32
    %lt3A = arith.constant 0 : i32
    %lt3A_24 = arith.cmpi slt, %rem3A_21, %lt3A : i32
    %lt3A_25 = arith.constant 0 : i32
    %lt3A_26 = arith.cmpi slt, %select_n3A_20, %lt3A_25 : i32
    %ne3A_27 = arith.xori %lt3A_24, %lt3A_26 : i1
    %and3A_28 = arith.andi %ne3A_27, %ne3A_23 : i1
    %add3A_29 = arith.addi %rem3A_21, %select_n3A_20 : i32
    %select_n3A_30 = arith.select %and3A_28, %add3A_29, %rem3A_21 : i32
    "tpu.region"() ({
      %run_scoped3A = tpu.sem_alloc : memref<!tpu.dma_semaphore, #tpu.memory_space<semaphore_mem>>
      %dma_start3A = arith.constant 0 : i32
      %dma_start3A_73 = tpu.memref_slice %arg2[%select_n3A, %dma_start3A] : memref<8x8192xf32, #tpu.memory_space<hbm>> -> memref<1x8192xf32, #tpu.memory_space<hbm>>
      %dma_start3A_74 = tpu.memref_squeeze %dma_start3A_73 : memref<1x8192xf32, #tpu.memory_space<hbm>> -> memref<8192xf32, #tpu.memory_space<hbm>>
      %dma_start3A_75 = arith.constant 0 : i32
      %dma_start3A_76 = tpu.memref_slice %arg2[%select_n3A, %dma_start3A_75] : memref<8x8192xf32, #tpu.memory_space<hbm>> -> memref<1x8192xf32, #tpu.memory_space<hbm>>
      %dma_start3A_77 = tpu.memref_squeeze %dma_start3A_76 : memref<1x8192xf32, #tpu.memory_space<hbm>> -> memref<8192xf32, #tpu.memory_space<hbm>>
      tpu.enqueue_dma source(%dma_start3A_77 : memref<8192xf32, #tpu.memory_space<hbm>>) target(%arg5 : memref<8192xf32, #tpu.memory_space<vmem>>) target_semaphore(%run_scoped3A : memref<!tpu.dma_semaphore, #tpu.memory_space<semaphore_mem>>)
      %dma_wait3A = arith.constant 0 : i32
      %dma_wait3A_78 = tpu.memref_slice %arg2[%select_n3A, %dma_wait3A] : memref<8x8192xf32, #tpu.memory_space<hbm>> -> memref<1x8192xf32, #tpu.memory_space<hbm>>
      %dma_wait3A_79 = tpu.memref_squeeze %dma_wait3A_78 : memref<1x8192xf32, #tpu.memory_space<hbm>> -> memref<8192xf32, #tpu.memory_space<hbm>>
      %dma_wait3A_80 = arith.constant 0 : i32
      %dma_wait3A_81 = tpu.memref_slice %arg2[%select_n3A, %dma_wait3A_80] : memref<8x8192xf32, #tpu.memory_space<hbm>> -> memref<1x8192xf32, #tpu.memory_space<hbm>>
      %dma_wait3A_82 = tpu.memref_squeeze %dma_wait3A_81 : memref<1x8192xf32, #tpu.memory_space<hbm>> -> memref<8192xf32, #tpu.memory_space<hbm>>
      tpu.wait_dma2 semaphore(%run_scoped3A : memref<!tpu.dma_semaphore, #tpu.memory_space<semaphore_mem>>) src(%dma_wait3A_82 : memref<8192xf32, #tpu.memory_space<hbm>>) dst(%arg5 : memref<8192xf32, #tpu.memory_space<vmem>>)
      tpu.yield
    }) : () -> ()
    %mul3A_31 = arith.constant 5 : i32
    %mul3A_32 = arith.muli %select_n3A_30, %mul3A_31 : i32
    %mul3A_33 = arith.constant 1024 : i32
    %mul3A_34 = arith.muli %mul3A_32, %mul3A_33 : i32
    "tpu.region"() ({
      %run_scoped3A = tpu.sem_alloc : memref<!tpu.dma_semaphore, #tpu.memory_space<semaphore_mem>>
      %dma_start3A = tpu.memref_slice %arg3[%select_n3A, %mul3A_34] : memref<8x20480xi32, #tpu.memory_space<hbm>> -> memref<1x5120xi32, #tpu.memory_space<hbm>>
      %dma_start3A_73 = tpu.memref_squeeze %dma_start3A : memref<1x5120xi32, #tpu.memory_space<hbm>> -> memref<5120xi32, #tpu.memory_space<hbm>>
      %dma_start3A_74 = tpu.memref_slice %arg3[%select_n3A, %mul3A_34] : memref<8x20480xi32, #tpu.memory_space<hbm>> -> memref<1x5120xi32, #tpu.memory_space<hbm>>
      %dma_start3A_75 = tpu.memref_squeeze %dma_start3A_74 : memref<1x5120xi32, #tpu.memory_space<hbm>> -> memref<5120xi32, #tpu.memory_space<hbm>>
      tpu.enqueue_dma source(%dma_start3A_75 : memref<5120xi32, #tpu.memory_space<hbm>>) target(%arg6 : memref<5120xi32, #tpu.memory_space<vmem>>) target_semaphore(%run_scoped3A : memref<!tpu.dma_semaphore, #tpu.memory_space<semaphore_mem>>)
      %dma_wait3A = tpu.memref_slice %arg3[%select_n3A, %mul3A_34] : memref<8x20480xi32, #tpu.memory_space<hbm>> -> memref<1x5120xi32, #tpu.memory_space<hbm>>
      %dma_wait3A_76 = tpu.memref_squeeze %dma_wait3A : memref<1x5120xi32, #tpu.memory_space<hbm>> -> memref<5120xi32, #tpu.memory_space<hbm>>
      %dma_wait3A_77 = tpu.memref_slice %arg3[%select_n3A, %mul3A_34] : memref<8x20480xi32, #tpu.memory_space<hbm>> -> memref<1x5120xi32, #tpu.memory_space<hbm>>
      %dma_wait3A_78 = tpu.memref_squeeze %dma_wait3A_77 : memref<1x5120xi32, #tpu.memory_space<hbm>> -> memref<5120xi32, #tpu.memory_space<hbm>>
      tpu.wait_dma2 semaphore(%run_scoped3A : memref<!tpu.dma_semaphore, #tpu.memory_space<semaphore_mem>>) src(%dma_wait3A_78 : memref<5120xi32, #tpu.memory_space<hbm>>) dst(%arg6 : memref<5120xi32, #tpu.memory_space<vmem>>)
      tpu.yield
    }) : () -> ()
    %iota3A = tpu.iota {dimensions = array<i32: 0>} : vector<16xi32>
    %mul3A_35 = arith.constant 8 : i32
    %mul3A_36 = vector.broadcast %mul3A_35 : i32 to vector<16xi32>
    %mul3A_37 = arith.muli %iota3A, %mul3A_36 : vector<16xi32>
    %scan3A = arith.constant 0 : i32
    %scan3A_38 = arith.constant 0 : i32
    %scan3A_39 = arith.constant 64 : i32
    %scan3A_40 = arith.addi %scan3A_38, %scan3A_39 : i32
    %scan3A_41 = arith.constant 1 : i32
    scf.for %scan3A_73 = %scan3A_38 to %scan3A_40 step %scan3A_41  : i32 {
      %mul3A_74 = arith.constant 16 : i32
      %mul3A_75 = arith.muli %scan3A_73, %mul3A_74 : i32
      %add3A_76 = arith.constant 0 : i32
      %add3A_77 = arith.addi %add3A_76, %mul3A_75 : i32
      %get3A = arith.index_cast %add3A_77 : i32 to index
      %get3A_78 = tpu.vector_load %arg6[%get3A] {strides = array<i32>} : memref<5120xi32, #tpu.memory_space<vmem>>, vector<16xi32>,
      %add3A_79 = arith.constant 0 : i32
      %add3A_80 = arith.addi %add3A_79, %mul3A_75 : i32
      %mul3A_81 = arith.constant 8 : i32
      %mul3A_82 = arith.muli %mul3A_81, %add3A_80 : i32
      %add3A_83 = arith.constant 0 : i32
      %add3A_84 = vector.broadcast %add3A_83 : i32 to vector<16xi32>
      %add3A_85 = arith.addi %get3A_78, %add3A_84 : vector<16xi32>
      %gather3A = tpu.vector_load_idx %arg5[%add3A_85] : memref<8192xf32, #tpu.memory_space<vmem>>[vector<16xi32>], vector<16xf32>,
      %add3A_86 = arith.constant 0 : i32
      %add3A_87 = arith.addi %mul3A_82, %add3A_86 : i32
      %add3A_88 = vector.broadcast %add3A_87 : i32 to vector<16xi32>
      %add3A_89 = arith.addi %mul3A_37, %add3A_88 : vector<16xi32>
      tpu.vector_store_idx %arg7[%add3A_89], %gather3A : memref<40960xf32, #tpu.memory_space<vmem>>[vector<16xi32>], vector<16xf32>,
      %add3A_90 = arith.constant 1024 : i32
      %add3A_91 = vector.broadcast %add3A_90 : i32 to vector<16xi32>
      %add3A_92 = arith.addi %get3A_78, %add3A_91 : vector<16xi32>
      %gather3A_93 = tpu.vector_load_idx %arg5[%add3A_92] : memref<8192xf32, #tpu.memory_space<vmem>>[vector<16xi32>], vector<16xf32>,
      %add3A_94 = arith.constant 1 : i32
      %add3A_95 = arith.addi %mul3A_82, %add3A_94 : i32
      %add3A_96 = vector.broadcast %add3A_95 : i32 to vector<16xi32>
      %add3A_97 = arith.addi %mul3A_37, %add3A_96 : vector<16xi32>
      tpu.vector_store_idx %arg7[%add3A_97], %gather3A_93 : memref<40960xf32, #tpu.memory_space<vmem>>[vector<16xi32>], vector<16xf32>,
      %add3A_98 = arith.constant 2048 : i32
      %add3A_99 = vector.broadcast %add3A_98 : i32 to vector<16xi32>
      %add3A_100 = arith.addi %get3A_78, %add3A_99 : vector<16xi32>
      %gather3A_101 = tpu.vector_load_idx %arg5[%add3A_100] : memref<8192xf32, #tpu.memory_space<vmem>>[vector<16xi32>], vector<16xf32>,
      %add3A_102 = arith.constant 2 : i32
      %add3A_103 = arith.addi %mul3A_82, %add3A_102 : i32
      %add3A_104 = vector.broadcast %add3A_103 : i32 to vector<16xi32>
      %add3A_105 = arith.addi %mul3A_37, %add3A_104 : vector<16xi32>
      tpu.vector_store_idx %arg7[%add3A_105], %gather3A_101 : memref<40960xf32, #tpu.memory_space<vmem>>[vector<16xi32>], vector<16xf32>,
      %add3A_106 = arith.constant 3072 : i32
      %add3A_107 = vector.broadcast %add3A_106 : i32 to vector<16xi32>
      %add3A_108 = arith.addi %get3A_78, %add3A_107 : vector<16xi32>
      %gather3A_109 = tpu.vector_load_idx %arg5[%add3A_108] : memref<8192xf32, #tpu.memory_space<vmem>>[vector<16xi32>], vector<16xf32>,
      %add3A_110 = arith.constant 3 : i32
      %add3A_111 = arith.addi %mul3A_82, %add3A_110 : i32
      %add3A_112 = vector.broadcast %add3A_111 : i32 to vector<16xi32>
      %add3A_113 = arith.addi %mul3A_37, %add3A_112 : vector<16xi32>
      tpu.vector_store_idx %arg7[%add3A_113], %gather3A_109 : memref<40960xf32, #tpu.memory_space<vmem>>[vector<16xi32>], vector<16xf32>,
      %add3A_114 = arith.constant 4096 : i32
      %add3A_115 = vector.broadcast %add3A_114 : i32 to vector<16xi32>
      %add3A_116 = arith.addi %get3A_78, %add3A_115 : vector<16xi32>
      %gather3A_117 = tpu.vector_load_idx %arg5[%add3A_116] : memref<8192xf32, #tpu.memory_space<vmem>>[vector<16xi32>], vector<16xf32>,
      %add3A_118 = arith.constant 4 : i32
      %add3A_119 = arith.addi %mul3A_82, %add3A_118 : i32
      %add3A_120 = vector.broadcast %add3A_119 : i32 to vector<16xi32>
      %add3A_121 = arith.addi %mul3A_37, %add3A_120 : vector<16xi32>
      tpu.vector_store_idx %arg7[%add3A_121], %gather3A_117 : memref<40960xf32, #tpu.memory_space<vmem>>[vector<16xi32>], vector<16xf32>,
      %add3A_122 = arith.constant 5120 : i32
      %add3A_123 = vector.broadcast %add3A_122 : i32 to vector<16xi32>
      %add3A_124 = arith.addi %get3A_78, %add3A_123 : vector<16xi32>
      %gather3A_125 = tpu.vector_load_idx %arg5[%add3A_124] : memref<8192xf32, #tpu.memory_space<vmem>>[vector<16xi32>], vector<16xf32>,
      %add3A_126 = arith.constant 5 : i32
      %add3A_127 = arith.addi %mul3A_82, %add3A_126 : i32
      %add3A_128 = vector.broadcast %add3A_127 : i32 to vector<16xi32>
      %add3A_129 = arith.addi %mul3A_37, %add3A_128 : vector<16xi32>
      tpu.vector_store_idx %arg7[%add3A_129], %gather3A_125 : memref<40960xf32, #tpu.memory_space<vmem>>[vector<16xi32>], vector<16xf32>,
      %add3A_130 = arith.constant 6144 : i32
      %add3A_131 = vector.broadcast %add3A_130 : i32 to vector<16xi32>
      %add3A_132 = arith.addi %get3A_78, %add3A_131 : vector<16xi32>
      %gather3A_133 = tpu.vector_load_idx %arg5[%add3A_132] : memref<8192xf32, #tpu.memory_space<vmem>>[vector<16xi32>], vector<16xf32>,
      %add3A_134 = arith.constant 6 : i32
      %add3A_135 = arith.addi %mul3A_82, %add3A_134 : i32
      %add3A_136 = vector.broadcast %add3A_135 : i32 to vector<16xi32>
      %add3A_137 = arith.addi %mul3A_37, %add3A_136 : vector<16xi32>
      tpu.vector_store_idx %arg7[%add3A_137], %gather3A_133 : memref<40960xf32, #tpu.memory_space<vmem>>[vector<16xi32>], vector<16xf32>,
      %add3A_138 = arith.constant 7168 : i32
      %add3A_139 = vector.broadcast %add3A_138 : i32 to vector<16xi32>
      %add3A_140 = arith.addi %get3A_78, %add3A_139 : vector<16xi32>
      %gather3A_141 = tpu.vector_load_idx %arg5[%add3A_140] : memref<8192xf32, #tpu.memory_space<vmem>>[vector<16xi32>], vector<16xf32>,
      %add3A_142 = arith.constant 7 : i32
      %add3A_143 = arith.addi %mul3A_82, %add3A_142 : i32
      %add3A_144 = vector.broadcast %add3A_143 : i32 to vector<16xi32>
      %add3A_145 = arith.addi %mul3A_37, %add3A_144 : vector<16xi32>
      tpu.vector_store_idx %arg7[%add3A_145], %gather3A_141 : memref<40960xf32, #tpu.memory_space<vmem>>[vector<16xi32>], vector<16xf32>,
    }
    %scan3A_42 = arith.constant 64 : i32
    %scan3A_43 = arith.constant 0 : i32
    %scan3A_44 = arith.constant 0 : i32
    %scan3A_45 = arith.constant 64 : i32
    %scan3A_46 = arith.addi %scan3A_44, %scan3A_45 : i32
    %scan3A_47 = arith.constant 1 : i32
    scf.for %scan3A_73 = %scan3A_44 to %scan3A_46 step %scan3A_47  : i32 {
      %mul3A_74 = arith.constant 16 : i32
      %mul3A_75 = arith.muli %scan3A_73, %mul3A_74 : i32
      %add3A_76 = arith.constant 1024 : i32
      %add3A_77 = arith.addi %add3A_76, %mul3A_75 : i32
      %get3A = arith.index_cast %add3A_77 : i32 to index
      %get3A_78 = tpu.vector_load %arg6[%get3A] {strides = array<i32>} : memref<5120xi32, #tpu.memory_space<vmem>>, vector<16xi32>,
      %add3A_79 = arith.constant 1024 : i32
      %add3A_80 = arith.addi %add3A_79, %mul3A_75 : i32
      %mul3A_81 = arith.constant 8 : i32
      %mul3A_82 = arith.muli %mul3A_81, %add3A_80 : i32
      %add3A_83 = arith.constant 0 : i32
      %add3A_84 = vector.broadcast %add3A_83 : i32 to vector<16xi32>
      %add3A_85 = arith.addi %get3A_78, %add3A_84 : vector<16xi32>
      %gather3A = tpu.vector_load_idx %arg5[%add3A_85] : memref<8192xf32, #tpu.memory_space<vmem>>[vector<16xi32>], vector<16xf32>,
      %add3A_86 = arith.constant 0 : i32
      %add3A_87 = arith.addi %mul3A_82, %add3A_86 : i32
      %add3A_88 = vector.broadcast %add3A_87 : i32 to vector<16xi32>
      %add3A_89 = arith.addi %mul3A_37, %add3A_88 : vector<16xi32>
      tpu.vector_store_idx %arg7[%add3A_89], %gather3A : memref<40960xf32, #tpu.memory_space<vmem>>[vector<16xi32>], vector<16xf32>,
      %add3A_90 = arith.constant 1024 : i32
      %add3A_91 = vector.broadcast %add3A_90 : i32 to vector<16xi32>
      %add3A_92 = arith.addi %get3A_78, %add3A_91 : vector<16xi32>
      %gather3A_93 = tpu.vector_load_idx %arg5[%add3A_92] : memref<8192xf32, #tpu.memory_space<vmem>>[vector<16xi32>], vector<16xf32>,
      %add3A_94 = arith.constant 1 : i32
      %add3A_95 = arith.addi %mul3A_82, %add3A_94 : i32
      %add3A_96 = vector.broadcast %add3A_95 : i32 to vector<16xi32>
      %add3A_97 = arith.addi %mul3A_37, %add3A_96 : vector<16xi32>
      tpu.vector_store_idx %arg7[%add3A_97], %gather3A_93 : memref<40960xf32, #tpu.memory_space<vmem>>[vector<16xi32>], vector<16xf32>,
      %add3A_98 = arith.constant 2048 : i32
      %add3A_99 = vector.broadcast %add3A_98 : i32 to vector<16xi32>
      %add3A_100 = arith.addi %get3A_78, %add3A_99 : vector<16xi32>
      %gather3A_101 = tpu.vector_load_idx %arg5[%add3A_100] : memref<8192xf32, #tpu.memory_space<vmem>>[vector<16xi32>], vector<16xf32>,
      %add3A_102 = arith.constant 2 : i32
      %add3A_103 = arith.addi %mul3A_82, %add3A_102 : i32
      %add3A_104 = vector.broadcast %add3A_103 : i32 to vector<16xi32>
      %add3A_105 = arith.addi %mul3A_37, %add3A_104 : vector<16xi32>
      tpu.vector_store_idx %arg7[%add3A_105], %gather3A_101 : memref<40960xf32, #tpu.memory_space<vmem>>[vector<16xi32>], vector<16xf32>,
      %add3A_106 = arith.constant 3072 : i32
      %add3A_107 = vector.broadcast %add3A_106 : i32 to vector<16xi32>
      %add3A_108 = arith.addi %get3A_78, %add3A_107 : vector<16xi32>
      %gather3A_109 = tpu.vector_load_idx %arg5[%add3A_108] : memref<8192xf32, #tpu.memory_space<vmem>>[vector<16xi32>], vector<16xf32>,
      %add3A_110 = arith.constant 3 : i32
      %add3A_111 = arith.addi %mul3A_82, %add3A_110 : i32
      %add3A_112 = vector.broadcast %add3A_111 : i32 to vector<16xi32>
      %add3A_113 = arith.addi %mul3A_37, %add3A_112 : vector<16xi32>
      tpu.vector_store_idx %arg7[%add3A_113], %gather3A_109 : memref<40960xf32, #tpu.memory_space<vmem>>[vector<16xi32>], vector<16xf32>,
      %add3A_114 = arith.constant 4096 : i32
      %add3A_115 = vector.broadcast %add3A_114 : i32 to vector<16xi32>
      %add3A_116 = arith.addi %get3A_78, %add3A_115 : vector<16xi32>
      %gather3A_117 = tpu.vector_load_idx %arg5[%add3A_116] : memref<8192xf32, #tpu.memory_space<vmem>>[vector<16xi32>], vector<16xf32>,
      %add3A_118 = arith.constant 4 : i32
      %add3A_119 = arith.addi %mul3A_82, %add3A_118 : i32
      %add3A_120 = vector.broadcast %add3A_119 : i32 to vector<16xi32>
      %add3A_121 = arith.addi %mul3A_37, %add3A_120 : vector<16xi32>
      tpu.vector_store_idx %arg7[%add3A_121], %gather3A_117 : memref<40960xf32, #tpu.memory_space<vmem>>[vector<16xi32>], vector<16xf32>,
      %add3A_122 = arith.constant 5120 : i32
      %add3A_123 = vector.broadcast %add3A_122 : i32 to vector<16xi32>
      %add3A_124 = arith.addi %get3A_78, %add3A_123 : vector<16xi32>
      %gather3A_125 = tpu.vector_load_idx %arg5[%add3A_124] : memref<8192xf32, #tpu.memory_space<vmem>>[vector<16xi32>], vector<16xf32>,
      %add3A_126 = arith.constant 5 : i32
      %add3A_127 = arith.addi %mul3A_82, %add3A_126 : i32
      %add3A_128 = vector.broadcast %add3A_127 : i32 to vector<16xi32>
      %add3A_129 = arith.addi %mul3A_37, %add3A_128 : vector<16xi32>
      tpu.vector_store_idx %arg7[%add3A_129], %gather3A_125 : memref<40960xf32, #tpu.memory_space<vmem>>[vector<16xi32>], vector<16xf32>,
      %add3A_130 = arith.constant 6144 : i32
      %add3A_131 = vector.broadcast %add3A_130 : i32 to vector<16xi32>
      %add3A_132 = arith.addi %get3A_78, %add3A_131 : vector<16xi32>
      %gather3A_133 = tpu.vector_load_idx %arg5[%add3A_132] : memref<8192xf32, #tpu.memory_space<vmem>>[vector<16xi32>], vector<16xf32>,
      %add3A_134 = arith.constant 6 : i32
      %add3A_135 = arith.addi %mul3A_82, %add3A_134 : i32
      %add3A_136 = vector.broadcast %add3A_135 : i32 to vector<16xi32>
      %add3A_137 = arith.addi %mul3A_37, %add3A_136 : vector<16xi32>
      tpu.vector_store_idx %arg7[%add3A_137], %gather3A_133 : memref<40960xf32, #tpu.memory_space<vmem>>[vector<16xi32>], vector<16xf32>,
      %add3A_138 = arith.constant 7168 : i32
      %add3A_139 = vector.broadcast %add3A_138 : i32 to vector<16xi32>
      %add3A_140 = arith.addi %get3A_78, %add3A_139 : vector<16xi32>
      %gather3A_141 = tpu.vector_load_idx %arg5[%add3A_140] : memref<8192xf32, #tpu.memory_space<vmem>>[vector<16xi32>], vector<16xf32>,
      %add3A_142 = arith.constant 7 : i32
      %add3A_143 = arith.addi %mul3A_82, %add3A_142 : i32
      %add3A_144 = vector.broadcast %add3A_143 : i32 to vector<16xi32>
      %add3A_145 = arith.addi %mul3A_37, %add3A_144 : vector<16xi32>
      tpu.vector_store_idx %arg7[%add3A_145], %gather3A_141 : memref<40960xf32, #tpu.memory_space<vmem>>[vector<16xi32>], vector<16xf32>,
    }
    %scan3A_48 = arith.constant 64 : i32
    %scan3A_49 = arith.constant 0 : i32
    %scan3A_50 = arith.constant 0 : i32
    %scan3A_51 = arith.constant 64 : i32
    %scan3A_52 = arith.addi %scan3A_50, %scan3A_51 : i32
    %scan3A_53 = arith.constant 1 : i32
    scf.for %scan3A_73 = %scan3A_50 to %scan3A_52 step %scan3A_53  : i32 {
      %mul3A_74 = arith.constant 16 : i32
      %mul3A_75 = arith.muli %scan3A_73, %mul3A_74 : i32
      %add3A_76 = arith.constant 2048 : i32
      %add3A_77 = arith.addi %add3A_76, %mul3A_75 : i32
      %get3A = arith.index_cast %add3A_77 : i32 to index
      %get3A_78 = tpu.vector_load %arg6[%get3A] {strides = array<i32>} : memref<5120xi32, #tpu.memory_space<vmem>>, vector<16xi32>,
      %add3A_79 = arith.constant 2048 : i32
      %add3A_80 = arith.addi %add3A_79, %mul3A_75 : i32
      %mul3A_81 = arith.constant 8 : i32
      %mul3A_82 = arith.muli %mul3A_81, %add3A_80 : i32
      %add3A_83 = arith.constant 0 : i32
      %add3A_84 = vector.broadcast %add3A_83 : i32 to vector<16xi32>
      %add3A_85 = arith.addi %get3A_78, %add3A_84 : vector<16xi32>
      %gather3A = tpu.vector_load_idx %arg5[%add3A_85] : memref<8192xf32, #tpu.memory_space<vmem>>[vector<16xi32>], vector<16xf32>,
      %add3A_86 = arith.constant 0 : i32
      %add3A_87 = arith.addi %mul3A_82, %add3A_86 : i32
      %add3A_88 = vector.broadcast %add3A_87 : i32 to vector<16xi32>
      %add3A_89 = arith.addi %mul3A_37, %add3A_88 : vector<16xi32>
      tpu.vector_store_idx %arg7[%add3A_89], %gather3A : memref<40960xf32, #tpu.memory_space<vmem>>[vector<16xi32>], vector<16xf32>,
      %add3A_90 = arith.constant 1024 : i32
      %add3A_91 = vector.broadcast %add3A_90 : i32 to vector<16xi32>
      %add3A_92 = arith.addi %get3A_78, %add3A_91 : vector<16xi32>
      %gather3A_93 = tpu.vector_load_idx %arg5[%add3A_92] : memref<8192xf32, #tpu.memory_space<vmem>>[vector<16xi32>], vector<16xf32>,
      %add3A_94 = arith.constant 1 : i32
      %add3A_95 = arith.addi %mul3A_82, %add3A_94 : i32
      %add3A_96 = vector.broadcast %add3A_95 : i32 to vector<16xi32>
      %add3A_97 = arith.addi %mul3A_37, %add3A_96 : vector<16xi32>
      tpu.vector_store_idx %arg7[%add3A_97], %gather3A_93 : memref<40960xf32, #tpu.memory_space<vmem>>[vector<16xi32>], vector<16xf32>,
      %add3A_98 = arith.constant 2048 : i32
      %add3A_99 = vector.broadcast %add3A_98 : i32 to vector<16xi32>
      %add3A_100 = arith.addi %get3A_78, %add3A_99 : vector<16xi32>
      %gather3A_101 = tpu.vector_load_idx %arg5[%add3A_100] : memref<8192xf32, #tpu.memory_space<vmem>>[vector<16xi32>], vector<16xf32>,
      %add3A_102 = arith.constant 2 : i32
      %add3A_103 = arith.addi %mul3A_82, %add3A_102 : i32
      %add3A_104 = vector.broadcast %add3A_103 : i32 to vector<16xi32>
      %add3A_105 = arith.addi %mul3A_37, %add3A_104 : vector<16xi32>
      tpu.vector_store_idx %arg7[%add3A_105], %gather3A_101 : memref<40960xf32, #tpu.memory_space<vmem>>[vector<16xi32>], vector<16xf32>,
      %add3A_106 = arith.constant 3072 : i32
      %add3A_107 = vector.broadcast %add3A_106 : i32 to vector<16xi32>
      %add3A_108 = arith.addi %get3A_78, %add3A_107 : vector<16xi32>
      %gather3A_109 = tpu.vector_load_idx %arg5[%add3A_108] : memref<8192xf32, #tpu.memory_space<vmem>>[vector<16xi32>], vector<16xf32>,
      %add3A_110 = arith.constant 3 : i32
      %add3A_111 = arith.addi %mul3A_82, %add3A_110 : i32
      %add3A_112 = vector.broadcast %add3A_111 : i32 to vector<16xi32>
      %add3A_113 = arith.addi %mul3A_37, %add3A_112 : vector<16xi32>
      tpu.vector_store_idx %arg7[%add3A_113], %gather3A_109 : memref<40960xf32, #tpu.memory_space<vmem>>[vector<16xi32>], vector<16xf32>,
      %add3A_114 = arith.constant 4096 : i32
      %add3A_115 = vector.broadcast %add3A_114 : i32 to vector<16xi32>
      %add3A_116 = arith.addi %get3A_78, %add3A_115 : vector<16xi32>
      %gather3A_117 = tpu.vector_load_idx %arg5[%add3A_116] : memref<8192xf32, #tpu.memory_space<vmem>>[vector<16xi32>], vector<16xf32>,
      %add3A_118 = arith.constant 4 : i32
      %add3A_119 = arith.addi %mul3A_82, %add3A_118 : i32
      %add3A_120 = vector.broadcast %add3A_119 : i32 to vector<16xi32>
      %add3A_121 = arith.addi %mul3A_37, %add3A_120 : vector<16xi32>
      tpu.vector_store_idx %arg7[%add3A_121], %gather3A_117 : memref<40960xf32, #tpu.memory_space<vmem>>[vector<16xi32>], vector<16xf32>,
      %add3A_122 = arith.constant 5120 : i32
      %add3A_123 = vector.broadcast %add3A_122 : i32 to vector<16xi32>
      %add3A_124 = arith.addi %get3A_78, %add3A_123 : vector<16xi32>
      %gather3A_125 = tpu.vector_load_idx %arg5[%add3A_124] : memref<8192xf32, #tpu.memory_space<vmem>>[vector<16xi32>], vector<16xf32>,
      %add3A_126 = arith.constant 5 : i32
      %add3A_127 = arith.addi %mul3A_82, %add3A_126 : i32
      %add3A_128 = vector.broadcast %add3A_127 : i32 to vector<16xi32>
      %add3A_129 = arith.addi %mul3A_37, %add3A_128 : vector<16xi32>
      tpu.vector_store_idx %arg7[%add3A_129], %gather3A_125 : memref<40960xf32, #tpu.memory_space<vmem>>[vector<16xi32>], vector<16xf32>,
      %add3A_130 = arith.constant 6144 : i32
      %add3A_131 = vector.broadcast %add3A_130 : i32 to vector<16xi32>
      %add3A_132 = arith.addi %get3A_78, %add3A_131 : vector<16xi32>
      %gather3A_133 = tpu.vector_load_idx %arg5[%add3A_132] : memref<8192xf32, #tpu.memory_space<vmem>>[vector<16xi32>], vector<16xf32>,
      %add3A_134 = arith.constant 6 : i32
      %add3A_135 = arith.addi %mul3A_82, %add3A_134 : i32
      %add3A_136 = vector.broadcast %add3A_135 : i32 to vector<16xi32>
      %add3A_137 = arith.addi %mul3A_37, %add3A_136 : vector<16xi32>
      tpu.vector_store_idx %arg7[%add3A_137], %gather3A_133 : memref<40960xf32, #tpu.memory_space<vmem>>[vector<16xi32>], vector<16xf32>,
      %add3A_138 = arith.constant 7168 : i32
      %add3A_139 = vector.broadcast %add3A_138 : i32 to vector<16xi32>
      %add3A_140 = arith.addi %get3A_78, %add3A_139 : vector<16xi32>
      %gather3A_141 = tpu.vector_load_idx %arg5[%add3A_140] : memref<8192xf32, #tpu.memory_space<vmem>>[vector<16xi32>], vector<16xf32>,
      %add3A_142 = arith.constant 7 : i32
      %add3A_143 = arith.addi %mul3A_82, %add3A_142 : i32
      %add3A_144 = vector.broadcast %add3A_143 : i32 to vector<16xi32>
      %add3A_145 = arith.addi %mul3A_37, %add3A_144 : vector<16xi32>
      tpu.vector_store_idx %arg7[%add3A_145], %gather3A_141 : memref<40960xf32, #tpu.memory_space<vmem>>[vector<16xi32>], vector<16xf32>,
    }
    %scan3A_54 = arith.constant 64 : i32
    %scan3A_55 = arith.constant 0 : i32
    %scan3A_56 = arith.constant 0 : i32
    %scan3A_57 = arith.constant 64 : i32
    %scan3A_58 = arith.addi %scan3A_56, %scan3A_57 : i32
    %scan3A_59 = arith.constant 1 : i32
    scf.for %scan3A_73 = %scan3A_56 to %scan3A_58 step %scan3A_59  : i32 {
      %mul3A_74 = arith.constant 16 : i32
      %mul3A_75 = arith.muli %scan3A_73, %mul3A_74 : i32
      %add3A_76 = arith.constant 3072 : i32
      %add3A_77 = arith.addi %add3A_76, %mul3A_75 : i32
      %get3A = arith.index_cast %add3A_77 : i32 to index
      %get3A_78 = tpu.vector_load %arg6[%get3A] {strides = array<i32>} : memref<5120xi32, #tpu.memory_space<vmem>>, vector<16xi32>,
      %add3A_79 = arith.constant 3072 : i32
      %add3A_80 = arith.addi %add3A_79, %mul3A_75 : i32
      %mul3A_81 = arith.constant 8 : i32
      %mul3A_82 = arith.muli %mul3A_81, %add3A_80 : i32
      %add3A_83 = arith.constant 0 : i32
      %add3A_84 = vector.broadcast %add3A_83 : i32 to vector<16xi32>
      %add3A_85 = arith.addi %get3A_78, %add3A_84 : vector<16xi32>
      %gather3A = tpu.vector_load_idx %arg5[%add3A_85] : memref<8192xf32, #tpu.memory_space<vmem>>[vector<16xi32>], vector<16xf32>,
      %add3A_86 = arith.constant 0 : i32
      %add3A_87 = arith.addi %mul3A_82, %add3A_86 : i32
      %add3A_88 = vector.broadcast %add3A_87 : i32 to vector<16xi32>
      %add3A_89 = arith.addi %mul3A_37, %add3A_88 : vector<16xi32>
      tpu.vector_store_idx %arg7[%add3A_89], %gather3A : memref<40960xf32, #tpu.memory_space<vmem>>[vector<16xi32>], vector<16xf32>,
      %add3A_90 = arith.constant 1024 : i32
      %add3A_91 = vector.broadcast %add3A_90 : i32 to vector<16xi32>
      %add3A_92 = arith.addi %get3A_78, %add3A_91 : vector<16xi32>
      %gather3A_93 = tpu.vector_load_idx %arg5[%add3A_92] : memref<8192xf32, #tpu.memory_space<vmem>>[vector<16xi32>], vector<16xf32>,
      %add3A_94 = arith.constant 1 : i32
      %add3A_95 = arith.addi %mul3A_82, %add3A_94 : i32
      %add3A_96 = vector.broadcast %add3A_95 : i32 to vector<16xi32>
      %add3A_97 = arith.addi %mul3A_37, %add3A_96 : vector<16xi32>
      tpu.vector_store_idx %arg7[%add3A_97], %gather3A_93 : memref<40960xf32, #tpu.memory_space<vmem>>[vector<16xi32>], vector<16xf32>,
      %add3A_98 = arith.constant 2048 : i32
      %add3A_99 = vector.broadcast %add3A_98 : i32 to vector<16xi32>
      %add3A_100 = arith.addi %get3A_78, %add3A_99 : vector<16xi32>
      %gather3A_101 = tpu.vector_load_idx %arg5[%add3A_100] : memref<8192xf32, #tpu.memory_space<vmem>>[vector<16xi32>], vector<16xf32>,
      %add3A_102 = arith.constant 2 : i32
      %add3A_103 = arith.addi %mul3A_82, %add3A_102 : i32
      %add3A_104 = vector.broadcast %add3A_103 : i32 to vector<16xi32>
      %add3A_105 = arith.addi %mul3A_37, %add3A_104 : vector<16xi32>
      tpu.vector_store_idx %arg7[%add3A_105], %gather3A_101 : memref<40960xf32, #tpu.memory_space<vmem>>[vector<16xi32>], vector<16xf32>,
      %add3A_106 = arith.constant 3072 : i32
      %add3A_107 = vector.broadcast %add3A_106 : i32 to vector<16xi32>
      %add3A_108 = arith.addi %get3A_78, %add3A_107 : vector<16xi32>
      %gather3A_109 = tpu.vector_load_idx %arg5[%add3A_108] : memref<8192xf32, #tpu.memory_space<vmem>>[vector<16xi32>], vector<16xf32>,
      %add3A_110 = arith.constant 3 : i32
      %add3A_111 = arith.addi %mul3A_82, %add3A_110 : i32
      %add3A_112 = vector.broadcast %add3A_111 : i32 to vector<16xi32>
      %add3A_113 = arith.addi %mul3A_37, %add3A_112 : vector<16xi32>
      tpu.vector_store_idx %arg7[%add3A_113], %gather3A_109 : memref<40960xf32, #tpu.memory_space<vmem>>[vector<16xi32>], vector<16xf32>,
      %add3A_114 = arith.constant 4096 : i32
      %add3A_115 = vector.broadcast %add3A_114 : i32 to vector<16xi32>
      %add3A_116 = arith.addi %get3A_78, %add3A_115 : vector<16xi32>
      %gather3A_117 = tpu.vector_load_idx %arg5[%add3A_116] : memref<8192xf32, #tpu.memory_space<vmem>>[vector<16xi32>], vector<16xf32>,
      %add3A_118 = arith.constant 4 : i32
      %add3A_119 = arith.addi %mul3A_82, %add3A_118 : i32
      %add3A_120 = vector.broadcast %add3A_119 : i32 to vector<16xi32>
      %add3A_121 = arith.addi %mul3A_37, %add3A_120 : vector<16xi32>
      tpu.vector_store_idx %arg7[%add3A_121], %gather3A_117 : memref<40960xf32, #tpu.memory_space<vmem>>[vector<16xi32>], vector<16xf32>,
      %add3A_122 = arith.constant 5120 : i32
      %add3A_123 = vector.broadcast %add3A_122 : i32 to vector<16xi32>
      %add3A_124 = arith.addi %get3A_78, %add3A_123 : vector<16xi32>
      %gather3A_125 = tpu.vector_load_idx %arg5[%add3A_124] : memref<8192xf32, #tpu.memory_space<vmem>>[vector<16xi32>], vector<16xf32>,
      %add3A_126 = arith.constant 5 : i32
      %add3A_127 = arith.addi %mul3A_82, %add3A_126 : i32
      %add3A_128 = vector.broadcast %add3A_127 : i32 to vector<16xi32>
      %add3A_129 = arith.addi %mul3A_37, %add3A_128 : vector<16xi32>
      tpu.vector_store_idx %arg7[%add3A_129], %gather3A_125 : memref<40960xf32, #tpu.memory_space<vmem>>[vector<16xi32>], vector<16xf32>,
      %add3A_130 = arith.constant 6144 : i32
      %add3A_131 = vector.broadcast %add3A_130 : i32 to vector<16xi32>
      %add3A_132 = arith.addi %get3A_78, %add3A_131 : vector<16xi32>
      %gather3A_133 = tpu.vector_load_idx %arg5[%add3A_132] : memref<8192xf32, #tpu.memory_space<vmem>>[vector<16xi32>], vector<16xf32>,
      %add3A_134 = arith.constant 6 : i32
      %add3A_135 = arith.addi %mul3A_82, %add3A_134 : i32
      %add3A_136 = vector.broadcast %add3A_135 : i32 to vector<16xi32>
      %add3A_137 = arith.addi %mul3A_37, %add3A_136 : vector<16xi32>
      tpu.vector_store_idx %arg7[%add3A_137], %gather3A_133 : memref<40960xf32, #tpu.memory_space<vmem>>[vector<16xi32>], vector<16xf32>,
      %add3A_138 = arith.constant 7168 : i32
      %add3A_139 = vector.broadcast %add3A_138 : i32 to vector<16xi32>
      %add3A_140 = arith.addi %get3A_78, %add3A_139 : vector<16xi32>
      %gather3A_141 = tpu.vector_load_idx %arg5[%add3A_140] : memref<8192xf32, #tpu.memory_space<vmem>>[vector<16xi32>], vector<16xf32>,
      %add3A_142 = arith.constant 7 : i32
      %add3A_143 = arith.addi %mul3A_82, %add3A_142 : i32
      %add3A_144 = vector.broadcast %add3A_143 : i32 to vector<16xi32>
      %add3A_145 = arith.addi %mul3A_37, %add3A_144 : vector<16xi32>
      tpu.vector_store_idx %arg7[%add3A_145], %gather3A_141 : memref<40960xf32, #tpu.memory_space<vmem>>[vector<16xi32>], vector<16xf32>,
    }
    %scan3A_60 = arith.constant 64 : i32
    %scan3A_61 = arith.constant 0 : i32
    %scan3A_62 = arith.constant 0 : i32
    %scan3A_63 = arith.constant 64 : i32
    %scan3A_64 = arith.addi %scan3A_62, %scan3A_63 : i32
    %scan3A_65 = arith.constant 1 : i32
    scf.for %scan3A_73 = %scan3A_62 to %scan3A_64 step %scan3A_65  : i32 {
      %mul3A_74 = arith.constant 16 : i32
      %mul3A_75 = arith.muli %scan3A_73, %mul3A_74 : i32
      %add3A_76 = arith.constant 4096 : i32
      %add3A_77 = arith.addi %add3A_76, %mul3A_75 : i32
      %get3A = arith.index_cast %add3A_77 : i32 to index
      %get3A_78 = tpu.vector_load %arg6[%get3A] {strides = array<i32>} : memref<5120xi32, #tpu.memory_space<vmem>>, vector<16xi32>,
      %add3A_79 = arith.constant 4096 : i32
      %add3A_80 = arith.addi %add3A_79, %mul3A_75 : i32
      %mul3A_81 = arith.constant 8 : i32
      %mul3A_82 = arith.muli %mul3A_81, %add3A_80 : i32
      %add3A_83 = arith.constant 0 : i32
      %add3A_84 = vector.broadcast %add3A_83 : i32 to vector<16xi32>
      %add3A_85 = arith.addi %get3A_78, %add3A_84 : vector<16xi32>
      %gather3A = tpu.vector_load_idx %arg5[%add3A_85] : memref<8192xf32, #tpu.memory_space<vmem>>[vector<16xi32>], vector<16xf32>,
      %add3A_86 = arith.constant 0 : i32
      %add3A_87 = arith.addi %mul3A_82, %add3A_86 : i32
      %add3A_88 = vector.broadcast %add3A_87 : i32 to vector<16xi32>
      %add3A_89 = arith.addi %mul3A_37, %add3A_88 : vector<16xi32>
      tpu.vector_store_idx %arg7[%add3A_89], %gather3A : memref<40960xf32, #tpu.memory_space<vmem>>[vector<16xi32>], vector<16xf32>,
      %add3A_90 = arith.constant 1024 : i32
      %add3A_91 = vector.broadcast %add3A_90 : i32 to vector<16xi32>
      %add3A_92 = arith.addi %get3A_78, %add3A_91 : vector<16xi32>
      %gather3A_93 = tpu.vector_load_idx %arg5[%add3A_92] : memref<8192xf32, #tpu.memory_space<vmem>>[vector<16xi32>], vector<16xf32>,
      %add3A_94 = arith.constant 1 : i32
      %add3A_95 = arith.addi %mul3A_82, %add3A_94 : i32
      %add3A_96 = vector.broadcast %add3A_95 : i32 to vector<16xi32>
      %add3A_97 = arith.addi %mul3A_37, %add3A_96 : vector<16xi32>
      tpu.vector_store_idx %arg7[%add3A_97], %gather3A_93 : memref<40960xf32, #tpu.memory_space<vmem>>[vector<16xi32>], vector<16xf32>,
      %add3A_98 = arith.constant 2048 : i32
      %add3A_99 = vector.broadcast %add3A_98 : i32 to vector<16xi32>
      %add3A_100 = arith.addi %get3A_78, %add3A_99 : vector<16xi32>
      %gather3A_101 = tpu.vector_load_idx %arg5[%add3A_100] : memref<8192xf32, #tpu.memory_space<vmem>>[vector<16xi32>], vector<16xf32>,
      %add3A_102 = arith.constant 2 : i32
      %add3A_103 = arith.addi %mul3A_82, %add3A_102 : i32
      %add3A_104 = vector.broadcast %add3A_103 : i32 to vector<16xi32>
      %add3A_105 = arith.addi %mul3A_37, %add3A_104 : vector<16xi32>
      tpu.vector_store_idx %arg7[%add3A_105], %gather3A_101 : memref<40960xf32, #tpu.memory_space<vmem>>[vector<16xi32>], vector<16xf32>,
      %add3A_106 = arith.constant 3072 : i32
      %add3A_107 = vector.broadcast %add3A_106 : i32 to vector<16xi32>
      %add3A_108 = arith.addi %get3A_78, %add3A_107 : vector<16xi32>
      %gather3A_109 = tpu.vector_load_idx %arg5[%add3A_108] : memref<8192xf32, #tpu.memory_space<vmem>>[vector<16xi32>], vector<16xf32>,
      %add3A_110 = arith.constant 3 : i32
      %add3A_111 = arith.addi %mul3A_82, %add3A_110 : i32
      %add3A_112 = vector.broadcast %add3A_111 : i32 to vector<16xi32>
      %add3A_113 = arith.addi %mul3A_37, %add3A_112 : vector<16xi32>
      tpu.vector_store_idx %arg7[%add3A_113], %gather3A_109 : memref<40960xf32, #tpu.memory_space<vmem>>[vector<16xi32>], vector<16xf32>,
      %add3A_114 = arith.constant 4096 : i32
      %add3A_115 = vector.broadcast %add3A_114 : i32 to vector<16xi32>
      %add3A_116 = arith.addi %get3A_78, %add3A_115 : vector<16xi32>
      %gather3A_117 = tpu.vector_load_idx %arg5[%add3A_116] : memref<8192xf32, #tpu.memory_space<vmem>>[vector<16xi32>], vector<16xf32>,
      %add3A_118 = arith.constant 4 : i32
      %add3A_119 = arith.addi %mul3A_82, %add3A_118 : i32
      %add3A_120 = vector.broadcast %add3A_119 : i32 to vector<16xi32>
      %add3A_121 = arith.addi %mul3A_37, %add3A_120 : vector<16xi32>
      tpu.vector_store_idx %arg7[%add3A_121], %gather3A_117 : memref<40960xf32, #tpu.memory_space<vmem>>[vector<16xi32>], vector<16xf32>,
      %add3A_122 = arith.constant 5120 : i32
      %add3A_123 = vector.broadcast %add3A_122 : i32 to vector<16xi32>
      %add3A_124 = arith.addi %get3A_78, %add3A_123 : vector<16xi32>
      %gather3A_125 = tpu.vector_load_idx %arg5[%add3A_124] : memref<8192xf32, #tpu.memory_space<vmem>>[vector<16xi32>], vector<16xf32>,
      %add3A_126 = arith.constant 5 : i32
      %add3A_127 = arith.addi %mul3A_82, %add3A_126 : i32
      %add3A_128 = vector.broadcast %add3A_127 : i32 to vector<16xi32>
      %add3A_129 = arith.addi %mul3A_37, %add3A_128 : vector<16xi32>
      tpu.vector_store_idx %arg7[%add3A_129], %gather3A_125 : memref<40960xf32, #tpu.memory_space<vmem>>[vector<16xi32>], vector<16xf32>,
      %add3A_130 = arith.constant 6144 : i32
      %add3A_131 = vector.broadcast %add3A_130 : i32 to vector<16xi32>
      %add3A_132 = arith.addi %get3A_78, %add3A_131 : vector<16xi32>
      %gather3A_133 = tpu.vector_load_idx %arg5[%add3A_132] : memref<8192xf32, #tpu.memory_space<vmem>>[vector<16xi32>], vector<16xf32>,
      %add3A_134 = arith.constant 6 : i32
      %add3A_135 = arith.addi %mul3A_82, %add3A_134 : i32
      %add3A_136 = vector.broadcast %add3A_135 : i32 to vector<16xi32>
      %add3A_137 = arith.addi %mul3A_37, %add3A_136 : vector<16xi32>
      tpu.vector_store_idx %arg7[%add3A_137], %gather3A_133 : memref<40960xf32, #tpu.memory_space<vmem>>[vector<16xi32>], vector<16xf32>,
      %add3A_138 = arith.constant 7168 : i32
      %add3A_139 = vector.broadcast %add3A_138 : i32 to vector<16xi32>
      %add3A_140 = arith.addi %get3A_78, %add3A_139 : vector<16xi32>
      %gather3A_141 = tpu.vector_load_idx %arg5[%add3A_140] : memref<8192xf32, #tpu.memory_space<vmem>>[vector<16xi32>], vector<16xf32>,
      %add3A_142 = arith.constant 7 : i32
      %add3A_143 = arith.addi %mul3A_82, %add3A_142 : i32
      %add3A_144 = vector.broadcast %add3A_143 : i32 to vector<16xi32>
      %add3A_145 = arith.addi %mul3A_37, %add3A_144 : vector<16xi32>
      tpu.vector_store_idx %arg7[%add3A_145], %gather3A_141 : memref<40960xf32, #tpu.memory_space<vmem>>[vector<16xi32>], vector<16xf32>,
    }
    %scan3A_66 = arith.constant 64 : i32
    %mul3A_67 = arith.constant 5 : i32
    %mul3A_68 = arith.muli %select_n3A_30, %mul3A_67 : i32
    %mul3A_69 = arith.constant 1024 : i32
    %mul3A_70 = arith.muli %mul3A_68, %mul3A_69 : i32
    %mul3A_71 = arith.constant 8 : i32
    %mul3A_72 = arith.muli %mul3A_70, %mul3A_71 : i32
    "tpu.region"() ({
      %run_scoped3A = tpu.sem_alloc : memref<!tpu.dma_semaphore, #tpu.memory_space<semaphore_mem>>
      %dma_start3A = tpu.memref_slice %arg4[%select_n3A, %mul3A_72] : memref<8x163840xf32, #tpu.memory_space<hbm>> -> memref<1x40960xf32, #tpu.memory_space<hbm>>
      %dma_start3A_73 = tpu.memref_squeeze %dma_start3A : memref<1x40960xf32, #tpu.memory_space<hbm>> -> memref<40960xf32, #tpu.memory_space<hbm>>
      %dma_start3A_74 = tpu.memref_slice %arg4[%select_n3A, %mul3A_72] : memref<8x163840xf32, #tpu.memory_space<hbm>> -> memref<1x40960xf32, #tpu.memory_space<hbm>>
      %dma_start3A_75 = tpu.memref_squeeze %dma_start3A_74 : memref<1x40960xf32, #tpu.memory_space<hbm>> -> memref<40960xf32, #tpu.memory_space<hbm>>
      tpu.enqueue_dma source(%arg7 : memref<40960xf32, #tpu.memory_space<vmem>>) target(%dma_start3A_75 : memref<40960xf32, #tpu.memory_space<hbm>>) target_semaphore(%run_scoped3A : memref<!tpu.dma_semaphore, #tpu.memory_space<semaphore_mem>>)
      %dma_wait3A = tpu.memref_slice %arg4[%select_n3A, %mul3A_72] : memref<8x163840xf32, #tpu.memory_space<hbm>> -> memref<1x40960xf32, #tpu.memory_space<hbm>>
      %dma_wait3A_76 = tpu.memref_squeeze %dma_wait3A : memref<1x40960xf32, #tpu.memory_space<hbm>> -> memref<40960xf32, #tpu.memory_space<hbm>>
      %dma_wait3A_77 = tpu.memref_slice %arg4[%select_n3A, %mul3A_72] : memref<8x163840xf32, #tpu.memory_space<hbm>> -> memref<1x40960xf32, #tpu.memory_space<hbm>>
      %dma_wait3A_78 = tpu.memref_squeeze %dma_wait3A_77 : memref<1x40960xf32, #tpu.memory_space<hbm>> -> memref<40960xf32, #tpu.memory_space<hbm>>
      tpu.wait_dma2 semaphore(%run_scoped3A : memref<!tpu.dma_semaphore, #tpu.memory_space<semaphore_mem>>) src(%arg7 : memref<40960xf32, #tpu.memory_space<vmem>>) dst(%dma_wait3A_78 : memref<40960xf32, #tpu.memory_space<hbm>>)
      tpu.yield
    }) : () -> ()
    return
  }
}

module attributes {stable_mosaic.version = 14 : i64} {
  func.func @_knn_kernel(%arg0: i32, %arg1: memref<1x3x1024xf32, #tpu.memory_space<vmem>>, %arg2: memref<1x20x1024xi32, #tpu.memory_space<vmem>>) attributes {dimension_semantics = [#tpu.dimension_semantics<arbitrary>], iteration_bounds = array<i64: 8>, scalar_prefetch = 0 : i64, scratch_operands = 0 : i64, tpu.core_type = #tpu.core_type<tc>, window_params = [{transform_indices = @transform_0, window_bounds = array<i64: 1, 3, 1024>}, {transform_indices = @transform_1, window_bounds = array<i64: 1, 20, 1024>}]} {
    %get3A = arith.constant 0 : index
    %get3A_0 = arith.constant 0 : index
    %get3A_1 = arith.constant 0 : index
    %get3A_2 = vector.load %arg1[%get3A, %get3A_0, %get3A_1] : memref<1x3x1024xf32, #tpu.memory_space<vmem>>, vector<1x3x1024xf32>
    %get3A_3 = vector.shape_cast %get3A_2 : vector<1x3x1024xf32> to vector<3x1024xf32>
    %dot_general3A = arith.constant dense<0.000000e+00> : vector<1024x1024xf32>
    %dot_general3A_4 = tpu.matmul %get3A_3, %get3A_3, %dot_general3A {dimension_numbers = #tpu.dot_dimension_numbers<[0], [0], [1], [1], [0, 1, 1, 1], [], []>, transpose_lhs_hint = false} : vector<3x1024xf32>, vector<3x1024xf32>, vector<1024x1024xf32> -> vector<1024x1024xf32>
    %mul3A = arith.mulf %get3A_3, %get3A_3 : vector<3x1024xf32>
    %reduce_sum3A = arith.constant dense<0.000000e+00> : vector<1024xf32>
    %reduce_sum3A_5 = vector.multi_reduction <add>, %mul3A, %reduce_sum3A [0] : vector<3x1024xf32> to vector<1024xf32>
    %broadcast_in_dim3A = vector.shape_cast %reduce_sum3A_5 : vector<1024xf32> to vector<1x1024xf32>
    %transpose3A = tpu.transpose %broadcast_in_dim3A, [1, 0] : vector<1x1024xf32> -> vector<1024x1xf32>
    %mul3A_6 = arith.constant -2.000000e+00 : f32
    %mul3A_7 = vector.broadcast %mul3A_6 : f32 to vector<1024x1024xf32>
    %mul3A_8 = arith.mulf %mul3A_7, %dot_general3A_4 : vector<1024x1024xf32>
    %neg3A = arith.constant 0.000000e+00 : f32
    %neg3A_9 = vector.broadcast %neg3A : f32 to vector<1x1024xf32>
    %neg3A_10 = arith.subf %neg3A_9, %broadcast_in_dim3A : vector<1x1024xf32>
    %sub3A = vector.broadcast %neg3A_10 : vector<1x1024xf32> to vector<1024x1024xf32>
    %sub3A_11 = arith.subf %sub3A, %mul3A_8 : vector<1024x1024xf32>
    %sub3A_12 = vector.broadcast %transpose3A : vector<1024x1xf32> to vector<1024x1024xf32>
    %sub3A_13 = arith.subf %sub3A_11, %sub3A_12 : vector<1024x1024xf32>
    %iota3A = tpu.iota {dimensions = array<i32: 0>} : vector<1024x1024xi32>
    %argmax3A = tpu.reduce_index %sub3A_13 {axis = 0 : i32, kind = #tpu.reduction_kind<arg_max>} : vector<1024x1024xf32> -> vector<1024xi32>
    %broadcast_in_dim3A_14 = vector.shape_cast %argmax3A : vector<1024xi32> to vector<1x1024xi32>
    %squeeze3A = vector.shape_cast %broadcast_in_dim3A_14 : vector<1x1024xi32> to vector<1024xi32>
    %swap3A = arith.constant 0 : index
    %swap3A_15 = arith.constant 0 : index
    %swap3A_16 = arith.constant 0 : index
    %swap3A_17 = vector.load %arg2[%swap3A, %swap3A_15, %swap3A_16] : memref<1x20x1024xi32, #tpu.memory_space<vmem>>, vector<1x1x1024xi32>
    %swap3A_18 = vector.shape_cast %swap3A_17 : vector<1x1x1024xi32> to vector<1024xi32>
    %swap3A_19 = vector.shape_cast %squeeze3A : vector<1024xi32> to vector<1x1x1024xi32>
    tpu.vector_store %arg2[%swap3A, %swap3A_15, %swap3A_16], %swap3A_19 {strides = array<i32>} : memref<1x20x1024xi32, #tpu.memory_space<vmem>>, vector<1x1x1024xi32>,
    %eq3A = vector.broadcast %broadcast_in_dim3A_14 : vector<1x1024xi32> to vector<1024x1024xi32>
    %eq3A_20 = arith.cmpi eq, %iota3A, %eq3A : vector<1024x1024xi32>
    %jit3A = arith.constant 0xFF800000 : f32
    %broadcast_in_dim3A_21 = vector.broadcast %jit3A : f32 to vector<1024x1024xf32>
    %select_n3A = arith.select %eq3A_20, %broadcast_in_dim3A_21, %sub3A_13 : vector<1024x1024xi1>, vector<1024x1024xf32>
    %argmax3A_22 = tpu.reduce_index %select_n3A {axis = 0 : i32, kind = #tpu.reduction_kind<arg_max>} : vector<1024x1024xf32> -> vector<1024xi32>
    %broadcast_in_dim3A_23 = vector.shape_cast %argmax3A_22 : vector<1024xi32> to vector<1x1024xi32>
    %squeeze3A_24 = vector.shape_cast %broadcast_in_dim3A_23 : vector<1x1024xi32> to vector<1024xi32>
    %swap3A_25 = arith.constant 0 : index
    %swap3A_26 = arith.constant 1 : index
    %swap3A_27 = arith.constant 0 : index
    %swap3A_28 = vector.load %arg2[%swap3A_25, %swap3A_26, %swap3A_27] : memref<1x20x1024xi32, #tpu.memory_space<vmem>>, vector<1x1x1024xi32>
    %swap3A_29 = vector.shape_cast %swap3A_28 : vector<1x1x1024xi32> to vector<1024xi32>
    %swap3A_30 = vector.shape_cast %squeeze3A_24 : vector<1024xi32> to vector<1x1x1024xi32>
    tpu.vector_store %arg2[%swap3A_25, %swap3A_26, %swap3A_27], %swap3A_30 {strides = array<i32>} : memref<1x20x1024xi32, #tpu.memory_space<vmem>>, vector<1x1x1024xi32>,
    %eq3A_31 = vector.broadcast %broadcast_in_dim3A_23 : vector<1x1024xi32> to vector<1024x1024xi32>
    %eq3A_32 = arith.cmpi eq, %iota3A, %eq3A_31 : vector<1024x1024xi32>
    %jit3A_33 = arith.constant 0xFF800000 : f32
    %broadcast_in_dim3A_34 = vector.broadcast %jit3A_33 : f32 to vector<1024x1024xf32>
    %select_n3A_35 = arith.select %eq3A_32, %broadcast_in_dim3A_34, %select_n3A : vector<1024x1024xi1>, vector<1024x1024xf32>
    %argmax3A_36 = tpu.reduce_index %select_n3A_35 {axis = 0 : i32, kind = #tpu.reduction_kind<arg_max>} : vector<1024x1024xf32> -> vector<1024xi32>
    %broadcast_in_dim3A_37 = vector.shape_cast %argmax3A_36 : vector<1024xi32> to vector<1x1024xi32>
    %squeeze3A_38 = vector.shape_cast %broadcast_in_dim3A_37 : vector<1x1024xi32> to vector<1024xi32>
    %swap3A_39 = arith.constant 0 : index
    %swap3A_40 = arith.constant 2 : index
    %swap3A_41 = arith.constant 0 : index
    %swap3A_42 = vector.load %arg2[%swap3A_39, %swap3A_40, %swap3A_41] : memref<1x20x1024xi32, #tpu.memory_space<vmem>>, vector<1x1x1024xi32>
    %swap3A_43 = vector.shape_cast %swap3A_42 : vector<1x1x1024xi32> to vector<1024xi32>
    %swap3A_44 = vector.shape_cast %squeeze3A_38 : vector<1024xi32> to vector<1x1x1024xi32>
    tpu.vector_store %arg2[%swap3A_39, %swap3A_40, %swap3A_41], %swap3A_44 {strides = array<i32>} : memref<1x20x1024xi32, #tpu.memory_space<vmem>>, vector<1x1x1024xi32>,
    %eq3A_45 = vector.broadcast %broadcast_in_dim3A_37 : vector<1x1024xi32> to vector<1024x1024xi32>
    %eq3A_46 = arith.cmpi eq, %iota3A, %eq3A_45 : vector<1024x1024xi32>
    %jit3A_47 = arith.constant 0xFF800000 : f32
    %broadcast_in_dim3A_48 = vector.broadcast %jit3A_47 : f32 to vector<1024x1024xf32>
    %select_n3A_49 = arith.select %eq3A_46, %broadcast_in_dim3A_48, %select_n3A_35 : vector<1024x1024xi1>, vector<1024x1024xf32>
    %argmax3A_50 = tpu.reduce_index %select_n3A_49 {axis = 0 : i32, kind = #tpu.reduction_kind<arg_max>} : vector<1024x1024xf32> -> vector<1024xi32>
    %broadcast_in_dim3A_51 = vector.shape_cast %argmax3A_50 : vector<1024xi32> to vector<1x1024xi32>
    %squeeze3A_52 = vector.shape_cast %broadcast_in_dim3A_51 : vector<1x1024xi32> to vector<1024xi32>
    %swap3A_53 = arith.constant 0 : index
    %swap3A_54 = arith.constant 3 : index
    %swap3A_55 = arith.constant 0 : index
    %swap3A_56 = vector.load %arg2[%swap3A_53, %swap3A_54, %swap3A_55] : memref<1x20x1024xi32, #tpu.memory_space<vmem>>, vector<1x1x1024xi32>
    %swap3A_57 = vector.shape_cast %swap3A_56 : vector<1x1x1024xi32> to vector<1024xi32>
    %swap3A_58 = vector.shape_cast %squeeze3A_52 : vector<1024xi32> to vector<1x1x1024xi32>
    tpu.vector_store %arg2[%swap3A_53, %swap3A_54, %swap3A_55], %swap3A_58 {strides = array<i32>} : memref<1x20x1024xi32, #tpu.memory_space<vmem>>, vector<1x1x1024xi32>,
    %eq3A_59 = vector.broadcast %broadcast_in_dim3A_51 : vector<1x1024xi32> to vector<1024x1024xi32>
    %eq3A_60 = arith.cmpi eq, %iota3A, %eq3A_59 : vector<1024x1024xi32>
    %jit3A_61 = arith.constant 0xFF800000 : f32
    %broadcast_in_dim3A_62 = vector.broadcast %jit3A_61 : f32 to vector<1024x1024xf32>
    %select_n3A_63 = arith.select %eq3A_60, %broadcast_in_dim3A_62, %select_n3A_49 : vector<1024x1024xi1>, vector<1024x1024xf32>
    %argmax3A_64 = tpu.reduce_index %select_n3A_63 {axis = 0 : i32, kind = #tpu.reduction_kind<arg_max>} : vector<1024x1024xf32> -> vector<1024xi32>
    %broadcast_in_dim3A_65 = vector.shape_cast %argmax3A_64 : vector<1024xi32> to vector<1x1024xi32>
    %squeeze3A_66 = vector.shape_cast %broadcast_in_dim3A_65 : vector<1x1024xi32> to vector<1024xi32>
    %swap3A_67 = arith.constant 0 : index
    %swap3A_68 = arith.constant 4 : index
    %swap3A_69 = arith.constant 0 : index
    %swap3A_70 = vector.load %arg2[%swap3A_67, %swap3A_68, %swap3A_69] : memref<1x20x1024xi32, #tpu.memory_space<vmem>>, vector<1x1x1024xi32>
    %swap3A_71 = vector.shape_cast %swap3A_70 : vector<1x1x1024xi32> to vector<1024xi32>
    %swap3A_72 = vector.shape_cast %squeeze3A_66 : vector<1024xi32> to vector<1x1x1024xi32>
    tpu.vector_store %arg2[%swap3A_67, %swap3A_68, %swap3A_69], %swap3A_72 {strides = array<i32>} : memref<1x20x1024xi32, #tpu.memory_space<vmem>>, vector<1x1x1024xi32>,
    %eq3A_73 = vector.broadcast %broadcast_in_dim3A_65 : vector<1x1024xi32> to vector<1024x1024xi32>
    %eq3A_74 = arith.cmpi eq, %iota3A, %eq3A_73 : vector<1024x1024xi32>
    %jit3A_75 = arith.constant 0xFF800000 : f32
    %broadcast_in_dim3A_76 = vector.broadcast %jit3A_75 : f32 to vector<1024x1024xf32>
    %select_n3A_77 = arith.select %eq3A_74, %broadcast_in_dim3A_76, %select_n3A_63 : vector<1024x1024xi1>, vector<1024x1024xf32>
    %argmax3A_78 = tpu.reduce_index %select_n3A_77 {axis = 0 : i32, kind = #tpu.reduction_kind<arg_max>} : vector<1024x1024xf32> -> vector<1024xi32>
    %broadcast_in_dim3A_79 = vector.shape_cast %argmax3A_78 : vector<1024xi32> to vector<1x1024xi32>
    %squeeze3A_80 = vector.shape_cast %broadcast_in_dim3A_79 : vector<1x1024xi32> to vector<1024xi32>
    %swap3A_81 = arith.constant 0 : index
    %swap3A_82 = arith.constant 5 : index
    %swap3A_83 = arith.constant 0 : index
    %swap3A_84 = vector.load %arg2[%swap3A_81, %swap3A_82, %swap3A_83] : memref<1x20x1024xi32, #tpu.memory_space<vmem>>, vector<1x1x1024xi32>
    %swap3A_85 = vector.shape_cast %swap3A_84 : vector<1x1x1024xi32> to vector<1024xi32>
    %swap3A_86 = vector.shape_cast %squeeze3A_80 : vector<1024xi32> to vector<1x1x1024xi32>
    tpu.vector_store %arg2[%swap3A_81, %swap3A_82, %swap3A_83], %swap3A_86 {strides = array<i32>} : memref<1x20x1024xi32, #tpu.memory_space<vmem>>, vector<1x1x1024xi32>,
    %eq3A_87 = vector.broadcast %broadcast_in_dim3A_79 : vector<1x1024xi32> to vector<1024x1024xi32>
    %eq3A_88 = arith.cmpi eq, %iota3A, %eq3A_87 : vector<1024x1024xi32>
    %jit3A_89 = arith.constant 0xFF800000 : f32
    %broadcast_in_dim3A_90 = vector.broadcast %jit3A_89 : f32 to vector<1024x1024xf32>
    %select_n3A_91 = arith.select %eq3A_88, %broadcast_in_dim3A_90, %select_n3A_77 : vector<1024x1024xi1>, vector<1024x1024xf32>
    %argmax3A_92 = tpu.reduce_index %select_n3A_91 {axis = 0 : i32, kind = #tpu.reduction_kind<arg_max>} : vector<1024x1024xf32> -> vector<1024xi32>
    %broadcast_in_dim3A_93 = vector.shape_cast %argmax3A_92 : vector<1024xi32> to vector<1x1024xi32>
    %squeeze3A_94 = vector.shape_cast %broadcast_in_dim3A_93 : vector<1x1024xi32> to vector<1024xi32>
    %swap3A_95 = arith.constant 0 : index
    %swap3A_96 = arith.constant 6 : index
    %swap3A_97 = arith.constant 0 : index
    %swap3A_98 = vector.load %arg2[%swap3A_95, %swap3A_96, %swap3A_97] : memref<1x20x1024xi32, #tpu.memory_space<vmem>>, vector<1x1x1024xi32>
    %swap3A_99 = vector.shape_cast %swap3A_98 : vector<1x1x1024xi32> to vector<1024xi32>
    %swap3A_100 = vector.shape_cast %squeeze3A_94 : vector<1024xi32> to vector<1x1x1024xi32>
    tpu.vector_store %arg2[%swap3A_95, %swap3A_96, %swap3A_97], %swap3A_100 {strides = array<i32>} : memref<1x20x1024xi32, #tpu.memory_space<vmem>>, vector<1x1x1024xi32>,
    %eq3A_101 = vector.broadcast %broadcast_in_dim3A_93 : vector<1x1024xi32> to vector<1024x1024xi32>
    %eq3A_102 = arith.cmpi eq, %iota3A, %eq3A_101 : vector<1024x1024xi32>
    %jit3A_103 = arith.constant 0xFF800000 : f32
    %broadcast_in_dim3A_104 = vector.broadcast %jit3A_103 : f32 to vector<1024x1024xf32>
    %select_n3A_105 = arith.select %eq3A_102, %broadcast_in_dim3A_104, %select_n3A_91 : vector<1024x1024xi1>, vector<1024x1024xf32>
    %argmax3A_106 = tpu.reduce_index %select_n3A_105 {axis = 0 : i32, kind = #tpu.reduction_kind<arg_max>} : vector<1024x1024xf32> -> vector<1024xi32>
    %broadcast_in_dim3A_107 = vector.shape_cast %argmax3A_106 : vector<1024xi32> to vector<1x1024xi32>
    %squeeze3A_108 = vector.shape_cast %broadcast_in_dim3A_107 : vector<1x1024xi32> to vector<1024xi32>
    %swap3A_109 = arith.constant 0 : index
    %swap3A_110 = arith.constant 7 : index
    %swap3A_111 = arith.constant 0 : index
    %swap3A_112 = vector.load %arg2[%swap3A_109, %swap3A_110, %swap3A_111] : memref<1x20x1024xi32, #tpu.memory_space<vmem>>, vector<1x1x1024xi32>
    %swap3A_113 = vector.shape_cast %swap3A_112 : vector<1x1x1024xi32> to vector<1024xi32>
    %swap3A_114 = vector.shape_cast %squeeze3A_108 : vector<1024xi32> to vector<1x1x1024xi32>
    tpu.vector_store %arg2[%swap3A_109, %swap3A_110, %swap3A_111], %swap3A_114 {strides = array<i32>} : memref<1x20x1024xi32, #tpu.memory_space<vmem>>, vector<1x1x1024xi32>,
    %eq3A_115 = vector.broadcast %broadcast_in_dim3A_107 : vector<1x1024xi32> to vector<1024x1024xi32>
    %eq3A_116 = arith.cmpi eq, %iota3A, %eq3A_115 : vector<1024x1024xi32>
    %jit3A_117 = arith.constant 0xFF800000 : f32
    %broadcast_in_dim3A_118 = vector.broadcast %jit3A_117 : f32 to vector<1024x1024xf32>
    %select_n3A_119 = arith.select %eq3A_116, %broadcast_in_dim3A_118, %select_n3A_105 : vector<1024x1024xi1>, vector<1024x1024xf32>
    %argmax3A_120 = tpu.reduce_index %select_n3A_119 {axis = 0 : i32, kind = #tpu.reduction_kind<arg_max>} : vector<1024x1024xf32> -> vector<1024xi32>
    %broadcast_in_dim3A_121 = vector.shape_cast %argmax3A_120 : vector<1024xi32> to vector<1x1024xi32>
    %squeeze3A_122 = vector.shape_cast %broadcast_in_dim3A_121 : vector<1x1024xi32> to vector<1024xi32>
    %swap3A_123 = arith.constant 0 : index
    %swap3A_124 = arith.constant 8 : index
    %swap3A_125 = arith.constant 0 : index
    %swap3A_126 = vector.load %arg2[%swap3A_123, %swap3A_124, %swap3A_125] : memref<1x20x1024xi32, #tpu.memory_space<vmem>>, vector<1x1x1024xi32>
    %swap3A_127 = vector.shape_cast %swap3A_126 : vector<1x1x1024xi32> to vector<1024xi32>
    %swap3A_128 = vector.shape_cast %squeeze3A_122 : vector<1024xi32> to vector<1x1x1024xi32>
    tpu.vector_store %arg2[%swap3A_123, %swap3A_124, %swap3A_125], %swap3A_128 {strides = array<i32>} : memref<1x20x1024xi32, #tpu.memory_space<vmem>>, vector<1x1x1024xi32>,
    %eq3A_129 = vector.broadcast %broadcast_in_dim3A_121 : vector<1x1024xi32> to vector<1024x1024xi32>
    %eq3A_130 = arith.cmpi eq, %iota3A, %eq3A_129 : vector<1024x1024xi32>
    %jit3A_131 = arith.constant 0xFF800000 : f32
    %broadcast_in_dim3A_132 = vector.broadcast %jit3A_131 : f32 to vector<1024x1024xf32>
    %select_n3A_133 = arith.select %eq3A_130, %broadcast_in_dim3A_132, %select_n3A_119 : vector<1024x1024xi1>, vector<1024x1024xf32>
    %argmax3A_134 = tpu.reduce_index %select_n3A_133 {axis = 0 : i32, kind = #tpu.reduction_kind<arg_max>} : vector<1024x1024xf32> -> vector<1024xi32>
    %broadcast_in_dim3A_135 = vector.shape_cast %argmax3A_134 : vector<1024xi32> to vector<1x1024xi32>
    %squeeze3A_136 = vector.shape_cast %broadcast_in_dim3A_135 : vector<1x1024xi32> to vector<1024xi32>
    %swap3A_137 = arith.constant 0 : index
    %swap3A_138 = arith.constant 9 : index
    %swap3A_139 = arith.constant 0 : index
    %swap3A_140 = vector.load %arg2[%swap3A_137, %swap3A_138, %swap3A_139] : memref<1x20x1024xi32, #tpu.memory_space<vmem>>, vector<1x1x1024xi32>
    %swap3A_141 = vector.shape_cast %swap3A_140 : vector<1x1x1024xi32> to vector<1024xi32>
    %swap3A_142 = vector.shape_cast %squeeze3A_136 : vector<1024xi32> to vector<1x1x1024xi32>
    tpu.vector_store %arg2[%swap3A_137, %swap3A_138, %swap3A_139], %swap3A_142 {strides = array<i32>} : memref<1x20x1024xi32, #tpu.memory_space<vmem>>, vector<1x1x1024xi32>,
    %eq3A_143 = vector.broadcast %broadcast_in_dim3A_135 : vector<1x1024xi32> to vector<1024x1024xi32>
    %eq3A_144 = arith.cmpi eq, %iota3A, %eq3A_143 : vector<1024x1024xi32>
    %jit3A_145 = arith.constant 0xFF800000 : f32
    %broadcast_in_dim3A_146 = vector.broadcast %jit3A_145 : f32 to vector<1024x1024xf32>
    %select_n3A_147 = arith.select %eq3A_144, %broadcast_in_dim3A_146, %select_n3A_133 : vector<1024x1024xi1>, vector<1024x1024xf32>
    %argmax3A_148 = tpu.reduce_index %select_n3A_147 {axis = 0 : i32, kind = #tpu.reduction_kind<arg_max>} : vector<1024x1024xf32> -> vector<1024xi32>
    %broadcast_in_dim3A_149 = vector.shape_cast %argmax3A_148 : vector<1024xi32> to vector<1x1024xi32>
    %squeeze3A_150 = vector.shape_cast %broadcast_in_dim3A_149 : vector<1x1024xi32> to vector<1024xi32>
    %swap3A_151 = arith.constant 0 : index
    %swap3A_152 = arith.constant 10 : index
    %swap3A_153 = arith.constant 0 : index
    %swap3A_154 = vector.load %arg2[%swap3A_151, %swap3A_152, %swap3A_153] : memref<1x20x1024xi32, #tpu.memory_space<vmem>>, vector<1x1x1024xi32>
    %swap3A_155 = vector.shape_cast %swap3A_154 : vector<1x1x1024xi32> to vector<1024xi32>
    %swap3A_156 = vector.shape_cast %squeeze3A_150 : vector<1024xi32> to vector<1x1x1024xi32>
    tpu.vector_store %arg2[%swap3A_151, %swap3A_152, %swap3A_153], %swap3A_156 {strides = array<i32>} : memref<1x20x1024xi32, #tpu.memory_space<vmem>>, vector<1x1x1024xi32>,
    %eq3A_157 = vector.broadcast %broadcast_in_dim3A_149 : vector<1x1024xi32> to vector<1024x1024xi32>
    %eq3A_158 = arith.cmpi eq, %iota3A, %eq3A_157 : vector<1024x1024xi32>
    %jit3A_159 = arith.constant 0xFF800000 : f32
    %broadcast_in_dim3A_160 = vector.broadcast %jit3A_159 : f32 to vector<1024x1024xf32>
    %select_n3A_161 = arith.select %eq3A_158, %broadcast_in_dim3A_160, %select_n3A_147 : vector<1024x1024xi1>, vector<1024x1024xf32>
    %argmax3A_162 = tpu.reduce_index %select_n3A_161 {axis = 0 : i32, kind = #tpu.reduction_kind<arg_max>} : vector<1024x1024xf32> -> vector<1024xi32>
    %broadcast_in_dim3A_163 = vector.shape_cast %argmax3A_162 : vector<1024xi32> to vector<1x1024xi32>
    %squeeze3A_164 = vector.shape_cast %broadcast_in_dim3A_163 : vector<1x1024xi32> to vector<1024xi32>
    %swap3A_165 = arith.constant 0 : index
    %swap3A_166 = arith.constant 11 : index
    %swap3A_167 = arith.constant 0 : index
    %swap3A_168 = vector.load %arg2[%swap3A_165, %swap3A_166, %swap3A_167] : memref<1x20x1024xi32, #tpu.memory_space<vmem>>, vector<1x1x1024xi32>
    %swap3A_169 = vector.shape_cast %swap3A_168 : vector<1x1x1024xi32> to vector<1024xi32>
    %swap3A_170 = vector.shape_cast %squeeze3A_164 : vector<1024xi32> to vector<1x1x1024xi32>
    tpu.vector_store %arg2[%swap3A_165, %swap3A_166, %swap3A_167], %swap3A_170 {strides = array<i32>} : memref<1x20x1024xi32, #tpu.memory_space<vmem>>, vector<1x1x1024xi32>,
    %eq3A_171 = vector.broadcast %broadcast_in_dim3A_163 : vector<1x1024xi32> to vector<1024x1024xi32>
    %eq3A_172 = arith.cmpi eq, %iota3A, %eq3A_171 : vector<1024x1024xi32>
    %jit3A_173 = arith.constant 0xFF800000 : f32
    %broadcast_in_dim3A_174 = vector.broadcast %jit3A_173 : f32 to vector<1024x1024xf32>
    %select_n3A_175 = arith.select %eq3A_172, %broadcast_in_dim3A_174, %select_n3A_161 : vector<1024x1024xi1>, vector<1024x1024xf32>
    %argmax3A_176 = tpu.reduce_index %select_n3A_175 {axis = 0 : i32, kind = #tpu.reduction_kind<arg_max>} : vector<1024x1024xf32> -> vector<1024xi32>
    %broadcast_in_dim3A_177 = vector.shape_cast %argmax3A_176 : vector<1024xi32> to vector<1x1024xi32>
    %squeeze3A_178 = vector.shape_cast %broadcast_in_dim3A_177 : vector<1x1024xi32> to vector<1024xi32>
    %swap3A_179 = arith.constant 0 : index
    %swap3A_180 = arith.constant 12 : index
    %swap3A_181 = arith.constant 0 : index
    %swap3A_182 = vector.load %arg2[%swap3A_179, %swap3A_180, %swap3A_181] : memref<1x20x1024xi32, #tpu.memory_space<vmem>>, vector<1x1x1024xi32>
    %swap3A_183 = vector.shape_cast %swap3A_182 : vector<1x1x1024xi32> to vector<1024xi32>
    %swap3A_184 = vector.shape_cast %squeeze3A_178 : vector<1024xi32> to vector<1x1x1024xi32>
    tpu.vector_store %arg2[%swap3A_179, %swap3A_180, %swap3A_181], %swap3A_184 {strides = array<i32>} : memref<1x20x1024xi32, #tpu.memory_space<vmem>>, vector<1x1x1024xi32>,
    %eq3A_185 = vector.broadcast %broadcast_in_dim3A_177 : vector<1x1024xi32> to vector<1024x1024xi32>
    %eq3A_186 = arith.cmpi eq, %iota3A, %eq3A_185 : vector<1024x1024xi32>
    %jit3A_187 = arith.constant 0xFF800000 : f32
    %broadcast_in_dim3A_188 = vector.broadcast %jit3A_187 : f32 to vector<1024x1024xf32>
    %select_n3A_189 = arith.select %eq3A_186, %broadcast_in_dim3A_188, %select_n3A_175 : vector<1024x1024xi1>, vector<1024x1024xf32>
    %argmax3A_190 = tpu.reduce_index %select_n3A_189 {axis = 0 : i32, kind = #tpu.reduction_kind<arg_max>} : vector<1024x1024xf32> -> vector<1024xi32>
    %broadcast_in_dim3A_191 = vector.shape_cast %argmax3A_190 : vector<1024xi32> to vector<1x1024xi32>
    %squeeze3A_192 = vector.shape_cast %broadcast_in_dim3A_191 : vector<1x1024xi32> to vector<1024xi32>
    %swap3A_193 = arith.constant 0 : index
    %swap3A_194 = arith.constant 13 : index
    %swap3A_195 = arith.constant 0 : index
    %swap3A_196 = vector.load %arg2[%swap3A_193, %swap3A_194, %swap3A_195] : memref<1x20x1024xi32, #tpu.memory_space<vmem>>, vector<1x1x1024xi32>
    %swap3A_197 = vector.shape_cast %swap3A_196 : vector<1x1x1024xi32> to vector<1024xi32>
    %swap3A_198 = vector.shape_cast %squeeze3A_192 : vector<1024xi32> to vector<1x1x1024xi32>
    tpu.vector_store %arg2[%swap3A_193, %swap3A_194, %swap3A_195], %swap3A_198 {strides = array<i32>} : memref<1x20x1024xi32, #tpu.memory_space<vmem>>, vector<1x1x1024xi32>,
    %eq3A_199 = vector.broadcast %broadcast_in_dim3A_191 : vector<1x1024xi32> to vector<1024x1024xi32>
    %eq3A_200 = arith.cmpi eq, %iota3A, %eq3A_199 : vector<1024x1024xi32>
    %jit3A_201 = arith.constant 0xFF800000 : f32
    %broadcast_in_dim3A_202 = vector.broadcast %jit3A_201 : f32 to vector<1024x1024xf32>
    %select_n3A_203 = arith.select %eq3A_200, %broadcast_in_dim3A_202, %select_n3A_189 : vector<1024x1024xi1>, vector<1024x1024xf32>
    %argmax3A_204 = tpu.reduce_index %select_n3A_203 {axis = 0 : i32, kind = #tpu.reduction_kind<arg_max>} : vector<1024x1024xf32> -> vector<1024xi32>
    %broadcast_in_dim3A_205 = vector.shape_cast %argmax3A_204 : vector<1024xi32> to vector<1x1024xi32>
    %squeeze3A_206 = vector.shape_cast %broadcast_in_dim3A_205 : vector<1x1024xi32> to vector<1024xi32>
    %swap3A_207 = arith.constant 0 : index
    %swap3A_208 = arith.constant 14 : index
    %swap3A_209 = arith.constant 0 : index
    %swap3A_210 = vector.load %arg2[%swap3A_207, %swap3A_208, %swap3A_209] : memref<1x20x1024xi32, #tpu.memory_space<vmem>>, vector<1x1x1024xi32>
    %swap3A_211 = vector.shape_cast %swap3A_210 : vector<1x1x1024xi32> to vector<1024xi32>
    %swap3A_212 = vector.shape_cast %squeeze3A_206 : vector<1024xi32> to vector<1x1x1024xi32>
    tpu.vector_store %arg2[%swap3A_207, %swap3A_208, %swap3A_209], %swap3A_212 {strides = array<i32>} : memref<1x20x1024xi32, #tpu.memory_space<vmem>>, vector<1x1x1024xi32>,
    %eq3A_213 = vector.broadcast %broadcast_in_dim3A_205 : vector<1x1024xi32> to vector<1024x1024xi32>
    %eq3A_214 = arith.cmpi eq, %iota3A, %eq3A_213 : vector<1024x1024xi32>
    %jit3A_215 = arith.constant 0xFF800000 : f32
    %broadcast_in_dim3A_216 = vector.broadcast %jit3A_215 : f32 to vector<1024x1024xf32>
    %select_n3A_217 = arith.select %eq3A_214, %broadcast_in_dim3A_216, %select_n3A_203 : vector<1024x1024xi1>, vector<1024x1024xf32>
    %argmax3A_218 = tpu.reduce_index %select_n3A_217 {axis = 0 : i32, kind = #tpu.reduction_kind<arg_max>} : vector<1024x1024xf32> -> vector<1024xi32>
    %broadcast_in_dim3A_219 = vector.shape_cast %argmax3A_218 : vector<1024xi32> to vector<1x1024xi32>
    %squeeze3A_220 = vector.shape_cast %broadcast_in_dim3A_219 : vector<1x1024xi32> to vector<1024xi32>
    %swap3A_221 = arith.constant 0 : index
    %swap3A_222 = arith.constant 15 : index
    %swap3A_223 = arith.constant 0 : index
    %swap3A_224 = vector.load %arg2[%swap3A_221, %swap3A_222, %swap3A_223] : memref<1x20x1024xi32, #tpu.memory_space<vmem>>, vector<1x1x1024xi32>
    %swap3A_225 = vector.shape_cast %swap3A_224 : vector<1x1x1024xi32> to vector<1024xi32>
    %swap3A_226 = vector.shape_cast %squeeze3A_220 : vector<1024xi32> to vector<1x1x1024xi32>
    tpu.vector_store %arg2[%swap3A_221, %swap3A_222, %swap3A_223], %swap3A_226 {strides = array<i32>} : memref<1x20x1024xi32, #tpu.memory_space<vmem>>, vector<1x1x1024xi32>,
    %eq3A_227 = vector.broadcast %broadcast_in_dim3A_219 : vector<1x1024xi32> to vector<1024x1024xi32>
    %eq3A_228 = arith.cmpi eq, %iota3A, %eq3A_227 : vector<1024x1024xi32>
    %jit3A_229 = arith.constant 0xFF800000 : f32
    %broadcast_in_dim3A_230 = vector.broadcast %jit3A_229 : f32 to vector<1024x1024xf32>
    %select_n3A_231 = arith.select %eq3A_228, %broadcast_in_dim3A_230, %select_n3A_217 : vector<1024x1024xi1>, vector<1024x1024xf32>
    %argmax3A_232 = tpu.reduce_index %select_n3A_231 {axis = 0 : i32, kind = #tpu.reduction_kind<arg_max>} : vector<1024x1024xf32> -> vector<1024xi32>
    %broadcast_in_dim3A_233 = vector.shape_cast %argmax3A_232 : vector<1024xi32> to vector<1x1024xi32>
    %squeeze3A_234 = vector.shape_cast %broadcast_in_dim3A_233 : vector<1x1024xi32> to vector<1024xi32>
    %swap3A_235 = arith.constant 0 : index
    %swap3A_236 = arith.constant 16 : index
    %swap3A_237 = arith.constant 0 : index
    %swap3A_238 = vector.load %arg2[%swap3A_235, %swap3A_236, %swap3A_237] : memref<1x20x1024xi32, #tpu.memory_space<vmem>>, vector<1x1x1024xi32>
    %swap3A_239 = vector.shape_cast %swap3A_238 : vector<1x1x1024xi32> to vector<1024xi32>
    %swap3A_240 = vector.shape_cast %squeeze3A_234 : vector<1024xi32> to vector<1x1x1024xi32>
    tpu.vector_store %arg2[%swap3A_235, %swap3A_236, %swap3A_237], %swap3A_240 {strides = array<i32>} : memref<1x20x1024xi32, #tpu.memory_space<vmem>>, vector<1x1x1024xi32>,
    %eq3A_241 = vector.broadcast %broadcast_in_dim3A_233 : vector<1x1024xi32> to vector<1024x1024xi32>
    %eq3A_242 = arith.cmpi eq, %iota3A, %eq3A_241 : vector<1024x1024xi32>
    %jit3A_243 = arith.constant 0xFF800000 : f32
    %broadcast_in_dim3A_244 = vector.broadcast %jit3A_243 : f32 to vector<1024x1024xf32>
    %select_n3A_245 = arith.select %eq3A_242, %broadcast_in_dim3A_244, %select_n3A_231 : vector<1024x1024xi1>, vector<1024x1024xf32>
    %argmax3A_246 = tpu.reduce_index %select_n3A_245 {axis = 0 : i32, kind = #tpu.reduction_kind<arg_max>} : vector<1024x1024xf32> -> vector<1024xi32>
    %broadcast_in_dim3A_247 = vector.shape_cast %argmax3A_246 : vector<1024xi32> to vector<1x1024xi32>
    %squeeze3A_248 = vector.shape_cast %broadcast_in_dim3A_247 : vector<1x1024xi32> to vector<1024xi32>
    %swap3A_249 = arith.constant 0 : index
    %swap3A_250 = arith.constant 17 : index
    %swap3A_251 = arith.constant 0 : index
    %swap3A_252 = vector.load %arg2[%swap3A_249, %swap3A_250, %swap3A_251] : memref<1x20x1024xi32, #tpu.memory_space<vmem>>, vector<1x1x1024xi32>
    %swap3A_253 = vector.shape_cast %swap3A_252 : vector<1x1x1024xi32> to vector<1024xi32>
    %swap3A_254 = vector.shape_cast %squeeze3A_248 : vector<1024xi32> to vector<1x1x1024xi32>
    tpu.vector_store %arg2[%swap3A_249, %swap3A_250, %swap3A_251], %swap3A_254 {strides = array<i32>} : memref<1x20x1024xi32, #tpu.memory_space<vmem>>, vector<1x1x1024xi32>,
    %eq3A_255 = vector.broadcast %broadcast_in_dim3A_247 : vector<1x1024xi32> to vector<1024x1024xi32>
    %eq3A_256 = arith.cmpi eq, %iota3A, %eq3A_255 : vector<1024x1024xi32>
    %jit3A_257 = arith.constant 0xFF800000 : f32
    %broadcast_in_dim3A_258 = vector.broadcast %jit3A_257 : f32 to vector<1024x1024xf32>
    %select_n3A_259 = arith.select %eq3A_256, %broadcast_in_dim3A_258, %select_n3A_245 : vector<1024x1024xi1>, vector<1024x1024xf32>
    %argmax3A_260 = tpu.reduce_index %select_n3A_259 {axis = 0 : i32, kind = #tpu.reduction_kind<arg_max>} : vector<1024x1024xf32> -> vector<1024xi32>
    %broadcast_in_dim3A_261 = vector.shape_cast %argmax3A_260 : vector<1024xi32> to vector<1x1024xi32>
    %squeeze3A_262 = vector.shape_cast %broadcast_in_dim3A_261 : vector<1x1024xi32> to vector<1024xi32>
    %swap3A_263 = arith.constant 0 : index
    %swap3A_264 = arith.constant 18 : index
    %swap3A_265 = arith.constant 0 : index
    %swap3A_266 = vector.load %arg2[%swap3A_263, %swap3A_264, %swap3A_265] : memref<1x20x1024xi32, #tpu.memory_space<vmem>>, vector<1x1x1024xi32>
    %swap3A_267 = vector.shape_cast %swap3A_266 : vector<1x1x1024xi32> to vector<1024xi32>
    %swap3A_268 = vector.shape_cast %squeeze3A_262 : vector<1024xi32> to vector<1x1x1024xi32>
    tpu.vector_store %arg2[%swap3A_263, %swap3A_264, %swap3A_265], %swap3A_268 {strides = array<i32>} : memref<1x20x1024xi32, #tpu.memory_space<vmem>>, vector<1x1x1024xi32>,
    %eq3A_269 = vector.broadcast %broadcast_in_dim3A_261 : vector<1x1024xi32> to vector<1024x1024xi32>
    %eq3A_270 = arith.cmpi eq, %iota3A, %eq3A_269 : vector<1024x1024xi32>
    %jit3A_271 = arith.constant 0xFF800000 : f32
    %broadcast_in_dim3A_272 = vector.broadcast %jit3A_271 : f32 to vector<1024x1024xf32>
    %select_n3A_273 = arith.select %eq3A_270, %broadcast_in_dim3A_272, %select_n3A_259 : vector<1024x1024xi1>, vector<1024x1024xf32>
    %argmax3A_274 = tpu.reduce_index %select_n3A_273 {axis = 0 : i32, kind = #tpu.reduction_kind<arg_max>} : vector<1024x1024xf32> -> vector<1024xi32>
    %broadcast_in_dim3A_275 = vector.shape_cast %argmax3A_274 : vector<1024xi32> to vector<1x1024xi32>
    %squeeze3A_276 = vector.shape_cast %broadcast_in_dim3A_275 : vector<1x1024xi32> to vector<1024xi32>
    %swap3A_277 = arith.constant 0 : index
    %swap3A_278 = arith.constant 19 : index
    %swap3A_279 = arith.constant 0 : index
    %swap3A_280 = vector.load %arg2[%swap3A_277, %swap3A_278, %swap3A_279] : memref<1x20x1024xi32, #tpu.memory_space<vmem>>, vector<1x1x1024xi32>
    %swap3A_281 = vector.shape_cast %swap3A_280 : vector<1x1x1024xi32> to vector<1024xi32>
    %swap3A_282 = vector.shape_cast %squeeze3A_276 : vector<1024xi32> to vector<1x1x1024xi32>
    tpu.vector_store %arg2[%swap3A_277, %swap3A_278, %swap3A_279], %swap3A_282 {strides = array<i32>} : memref<1x20x1024xi32, #tpu.memory_space<vmem>>, vector<1x1x1024xi32>,
    return
  }
  func.func @transform_0(%arg0: i32) -> (i32, i32, i32) {
    %c0_i32 = arith.constant 0 : i32
    %c0_i32_0 = arith.constant 0 : i32
    %c0_i32_1 = arith.constant 0 : i32
    return %arg0, %c0_i32, %c0_i32_0 : i32, i32, i32
  }
  func.func @transform_1(%arg0: i32) -> (i32, i32, i32) {
    %c0_i32 = arith.constant 0 : i32
    %c0_i32_0 = arith.constant 0 : i32
    %c0_i32_1 = arith.constant 0 : i32
    return %arg0, %c0_i32, %c0_i32_0 : i32, i32, i32
  }
}

module attributes {stable_mosaic.version = 14 : i64} {
  func.func @_feat_kernel(%arg0: i32, %arg1: i32, %arg2: i32, %arg3: memref<1x256x8xf32, #tpu.memory_space<vmem>>, %arg4: memref<1x20x256x8xf32, #tpu.memory_space<vmem>>, %arg5: memref<8x64xf32, #tpu.memory_space<vmem>>, %arg6: memref<8x64xf32, #tpu.memory_space<vmem>>, %arg7: memref<6x64x64xf32, #tpu.memory_space<vmem>>, %arg8: memref<1x256x64xf32, #tpu.memory_space<vmem>>, %arg9: memref<1x64xf32, #tpu.memory_space<vmem>>, %arg10: memref<1x64xf32, #tpu.memory_space<vmem>>, %arg11: memref<1x64xf32, #tpu.memory_space<vmem>>, %arg12: memref<1x64xf32, #tpu.memory_space<vmem>>) attributes {dimension_semantics = [#tpu.dimension_semantics<arbitrary>, #tpu.dimension_semantics<arbitrary>, #tpu.dimension_semantics<arbitrary>], iteration_bounds = array<i64: 2, 8, 4>, scalar_prefetch = 0 : i64, scratch_operands = 2 : i64, tpu.core_type = #tpu.core_type<tc>, window_params = [{transform_indices = @transform_0, window_bounds = array<i64: 1, 256, 8>}, {transform_indices = @transform_1, window_bounds = array<i64: 1, 20, 256, 8>}, {pipeline_mode = #tpu.pipeline_mode<synchronous>, transform_indices = @transform_2, window_bounds = array<i64: 8, 64>}, {pipeline_mode = #tpu.pipeline_mode<synchronous>, transform_indices = @transform_3, window_bounds = array<i64: 8, 64>}, {pipeline_mode = #tpu.pipeline_mode<synchronous>, transform_indices = @transform_4, window_bounds = array<i64: 6, 64, 64>}, {transform_indices = @transform_5, window_bounds = array<i64: 1, 256, 64>}, {pipeline_mode = #tpu.pipeline_mode<synchronous>, transform_indices = @transform_6, window_bounds = array<i64: 1, 64>}, {pipeline_mode = #tpu.pipeline_mode<synchronous>, transform_indices = @transform_7, window_bounds = array<i64: 1, 64>}]} {
    %eq3A = arith.constant 0 : i32
    %eq3A_0 = arith.cmpi eq, %arg1, %eq3A : i32
    %eq3A_1 = arith.constant 0 : i32
    %eq3A_2 = arith.cmpi eq, %arg2, %eq3A_1 : i32
    %and3A = arith.andi %eq3A_0, %eq3A_2 : i1
    %get3A = arith.constant 0 : index
    %get3A_3 = arith.constant 0 : index
    %get3A_4 = arith.constant 0 : index
    %get3A_5 = vector.load %arg3[%get3A, %get3A_3, %get3A_4] : memref<1x256x8xf32, #tpu.memory_space<vmem>>, vector<1x256x8xf32>
    %get3A_6 = vector.shape_cast %get3A_5 : vector<1x256x8xf32> to vector<256x8xf32>
    %get3A_7 = arith.constant 0 : index
    %get3A_8 = arith.constant 0 : index
    %get3A_9 = arith.constant 0 : index
    %get3A_10 = arith.constant 0 : index
    %get3A_11 = vector.load %arg4[%get3A_7, %get3A_8, %get3A_9, %get3A_10] : memref<1x20x256x8xf32, #tpu.memory_space<vmem>>, vector<1x20x256x8xf32>
    %get3A_12 = vector.shape_cast %get3A_11 : vector<1x20x256x8xf32> to vector<20x256x8xf32>
    %reshape3A = vector.shape_cast %get3A_12 : vector<20x256x8xf32> to vector<5120x8xf32>
    %eq3A_13 = arith.constant 0 : i32
    %eq3A_14 = arith.cmpi eq, %arg0, %eq3A_13 : i32
    %and3A_15 = arith.andi %eq3A_14, %and3A : i1
    %convert_element_type3A = arith.extui %and3A_15 : i1 to i32
    %cond3A = arith.constant 0 : i32
    %cond3A_16 = arith.cmpi ne, %convert_element_type3A, %cond3A : i32
    scf.if %cond3A_16 {
      %broadcast_in_dim3A = arith.constant 0.000000e+00 : f32
      %broadcast_in_dim3A_27 = vector.broadcast %broadcast_in_dim3A : f32 to vector<1x64xf32>
      %swap3A = arith.constant 0 : index
      %swap3A_28 = arith.constant 0 : index
      %swap3A_29 = vector.load %arg11[%swap3A, %swap3A_28] : memref<1x64xf32, #tpu.memory_space<vmem>>, vector<1x64xf32>
      tpu.vector_store %arg11[%swap3A, %swap3A_28], %broadcast_in_dim3A_27 {strides = array<i32>} : memref<1x64xf32, #tpu.memory_space<vmem>>, vector<1x64xf32>,
      %broadcast_in_dim3A_30 = arith.constant 0.000000e+00 : f32
      %broadcast_in_dim3A_31 = vector.broadcast %broadcast_in_dim3A_30 : f32 to vector<1x64xf32>
      %swap3A_32 = arith.constant 0 : index
      %swap3A_33 = arith.constant 0 : index
      %swap3A_34 = vector.load %arg12[%swap3A_32, %swap3A_33] : memref<1x64xf32, #tpu.memory_space<vmem>>, vector<1x64xf32>
      tpu.vector_store %arg12[%swap3A_32, %swap3A_33], %broadcast_in_dim3A_31 {strides = array<i32>} : memref<1x64xf32, #tpu.memory_space<vmem>>, vector<1x64xf32>,
    } else {
    }
    %eq3A_17 = arith.constant 0 : i32
    %eq3A_18 = arith.cmpi eq, %arg0, %eq3A_17 : i32
    %convert_element_type3A_19 = arith.extui %eq3A_18 : i1 to i32
    %cond3A_20 = arith.constant 0 : i32
    %cond3A_21 = arith.cmpi ne, %convert_element_type3A_19, %cond3A_20 : i32
    scf.if %cond3A_21 {
      %get3A_27 = arith.constant 0 : index
      %get3A_28 = arith.constant 0 : index
      %get3A_29 = vector.load %arg6[%get3A_27, %get3A_28] : memref<8x64xf32, #tpu.memory_space<vmem>>, vector<8x64xf32>
      %dot_general3A = arith.constant dense<0.000000e+00> : vector<256x64xf32>
      %dot_general3A_30 = tpu.matmul %get3A_6, %get3A_29, %dot_general3A {dimension_numbers = #tpu.dot_dimension_numbers<[1], [0], [0], [1], [0, 0, 1, 1], [], []>, transpose_lhs_hint = false} : vector<256x8xf32>, vector<8x64xf32>, vector<256x64xf32> -> vector<256x64xf32>
      %get3A_31 = arith.constant 0 : index
      %get3A_32 = arith.constant 0 : index
      %get3A_33 = vector.load %arg5[%get3A_31, %get3A_32] : memref<8x64xf32, #tpu.memory_space<vmem>>, vector<8x64xf32>
      %dot_general3A_34 = arith.constant dense<0.000000e+00> : vector<5120x64xf32>
      %dot_general3A_35 = tpu.matmul %reshape3A, %get3A_33, %dot_general3A_34 {dimension_numbers = #tpu.dot_dimension_numbers<[1], [0], [0], [1], [0, 0, 1, 1], [], []>, transpose_lhs_hint = false} : vector<5120x8xf32>, vector<8x64xf32>, vector<5120x64xf32> -> vector<5120x64xf32>
      %reshape3A_36 = vector.shape_cast %dot_general3A_35 : vector<5120x64xf32> to vector<20x256x64xf32>
      %broadcast_in_dim3A = vector.shape_cast %dot_general3A_30 : vector<256x64xf32> to vector<1x256x64xf32>
      %add3A = vector.broadcast %broadcast_in_dim3A : vector<1x256x64xf32> to vector<20x256x64xf32>
      %add3A_37 = arith.addf %reshape3A_36, %add3A : vector<20x256x64xf32>
      %reduce_sum3A = arith.constant dense<0.000000e+00> : vector<8xf32>
      %reduce_sum3A_38 = vector.multi_reduction <add>, %reshape3A, %reduce_sum3A [0] : vector<5120x8xf32> to vector<8xf32>
      %broadcast_in_dim3A_39 = vector.shape_cast %reduce_sum3A_38 : vector<8xf32> to vector<1x8xf32>
      %reduce_sum3A_40 = arith.constant dense<0.000000e+00> : vector<8xf32>
      %reduce_sum3A_41 = vector.multi_reduction <add>, %get3A_6, %reduce_sum3A_40 [0] : vector<256x8xf32> to vector<8xf32>
      %broadcast_in_dim3A_42 = vector.shape_cast %reduce_sum3A_41 : vector<8xf32> to vector<1x8xf32>
      %get3A_43 = arith.constant 0 : index
      %get3A_44 = arith.constant 0 : index
      %get3A_45 = vector.load %arg11[%get3A_43, %get3A_44] : memref<1x64xf32, #tpu.memory_space<vmem>>, vector<1x64xf32>
      %get3A_46 = arith.constant 0 : index
      %get3A_47 = arith.constant 0 : index
      %get3A_48 = vector.load %arg5[%get3A_46, %get3A_47] : memref<8x64xf32, #tpu.memory_space<vmem>>, vector<8x64xf32>
      %dot_general3A_49 = arith.constant dense<0.000000e+00> : vector<1x64xf32>
      %dot_general3A_50 = tpu.matmul %broadcast_in_dim3A_39, %get3A_48, %dot_general3A_49 {dimension_numbers = #tpu.dot_dimension_numbers<[1], [0], [0], [1], [0, 0, 1, 1], [], []>, transpose_lhs_hint = false} : vector<1x8xf32>, vector<8x64xf32>, vector<1x64xf32> -> vector<1x64xf32>
      %get3A_51 = arith.constant 0 : index
      %get3A_52 = arith.constant 0 : index
      %get3A_53 = vector.load %arg6[%get3A_51, %get3A_52] : memref<8x64xf32, #tpu.memory_space<vmem>>, vector<8x64xf32>
      %dot_general3A_54 = arith.constant dense<0.000000e+00> : vector<1x64xf32>
      %dot_general3A_55 = tpu.matmul %broadcast_in_dim3A_42, %get3A_53, %dot_general3A_54 {dimension_numbers = #tpu.dot_dimension_numbers<[1], [0], [0], [1], [0, 0, 1, 1], [], []>, transpose_lhs_hint = false} : vector<1x8xf32>, vector<8x64xf32>, vector<1x64xf32> -> vector<1x64xf32>
      %mul3A = arith.constant 2.000000e+01 : f32
      %mul3A_56 = vector.broadcast %mul3A : f32 to vector<1x64xf32>
      %mul3A_57 = arith.mulf %mul3A_56, %dot_general3A_55 : vector<1x64xf32>
      %add3A_58 = arith.addf %dot_general3A_50, %mul3A_57 : vector<1x64xf32>
      %add3A_59 = arith.addf %get3A_45, %add3A_58 : vector<1x64xf32>
      %swap3A = arith.constant 0 : index
      %swap3A_60 = arith.constant 0 : index
      %swap3A_61 = vector.load %arg11[%swap3A, %swap3A_60] : memref<1x64xf32, #tpu.memory_space<vmem>>, vector<1x64xf32>
      tpu.vector_store %arg11[%swap3A, %swap3A_60], %add3A_59 {strides = array<i32>} : memref<1x64xf32, #tpu.memory_space<vmem>>, vector<1x64xf32>,
      %mul3A_62 = arith.mulf %add3A_37, %add3A_37 : vector<20x256x64xf32>
      %reshape3A_63 = vector.shape_cast %mul3A_62 : vector<20x256x64xf32> to vector<5120x64xf32>
      %get3A_64 = arith.constant 0 : index
      %get3A_65 = arith.constant 0 : index
      %get3A_66 = vector.load %arg12[%get3A_64, %get3A_65] : memref<1x64xf32, #tpu.memory_space<vmem>>, vector<1x64xf32>
      %reduce_sum3A_67 = arith.constant dense<0.000000e+00> : vector<64xf32>
      %reduce_sum3A_68 = vector.multi_reduction <add>, %reshape3A_63, %reduce_sum3A_67 [0] : vector<5120x64xf32> to vector<64xf32>
      %broadcast_in_dim3A_69 = vector.shape_cast %reduce_sum3A_68 : vector<64xf32> to vector<1x64xf32>
      %add3A_70 = arith.addf %get3A_66, %broadcast_in_dim3A_69 : vector<1x64xf32>
      %swap3A_71 = arith.constant 0 : index
      %swap3A_72 = arith.constant 0 : index
      %swap3A_73 = vector.load %arg12[%swap3A_71, %swap3A_72] : memref<1x64xf32, #tpu.memory_space<vmem>>, vector<1x64xf32>
      tpu.vector_store %arg12[%swap3A_71, %swap3A_72], %add3A_70 {strides = array<i32>} : memref<1x64xf32, #tpu.memory_space<vmem>>, vector<1x64xf32>,
    } else {
    }
    %eq3A_22 = arith.constant 1 : i32
    %eq3A_23 = arith.cmpi eq, %arg0, %eq3A_22 : i32
    %convert_element_type3A_24 = arith.extui %eq3A_23 : i1 to i32
    %cond3A_25 = arith.constant 0 : i32
    %cond3A_26 = arith.cmpi ne, %convert_element_type3A_24, %cond3A_25 : i32
    scf.if %cond3A_26 {
      %get3A_27 = arith.constant 0 : index
      %get3A_28 = arith.constant 0 : index
      %get3A_29 = vector.load %arg11[%get3A_27, %get3A_28] : memref<1x64xf32, #tpu.memory_space<vmem>>, vector<1x64xf32>
      %div3A = arith.constant 1.638400e+05 : f32
      %div3A_30 = vector.broadcast %div3A : f32 to vector<1x64xf32>
      %div3A_31 = arith.divf %get3A_29, %div3A_30 : vector<1x64xf32>
      %get3A_32 = arith.constant 0 : index
      %get3A_33 = arith.constant 0 : index
      %get3A_34 = vector.load %arg12[%get3A_32, %get3A_33] : memref<1x64xf32, #tpu.memory_space<vmem>>, vector<1x64xf32>
      %div3A_35 = arith.constant 1.638400e+05 : f32
      %div3A_36 = vector.broadcast %div3A_35 : f32 to vector<1x64xf32>
      %div3A_37 = arith.divf %get3A_34, %div3A_36 : vector<1x64xf32>
      %mul3A = arith.mulf %div3A_31, %div3A_31 : vector<1x64xf32>
      %sub3A = arith.subf %div3A_37, %mul3A : vector<1x64xf32>
      %add3A = arith.constant 9.99999974E-6 : f32
      %add3A_38 = vector.broadcast %add3A : f32 to vector<1x64xf32>
      %add3A_39 = arith.addf %sub3A, %add3A_38 : vector<1x64xf32>
      %sqrt3A = math.sqrt %add3A_39 : vector<1x64xf32>
      %div3A_40 = arith.constant 1.000000e+00 : f32
      %div3A_41 = vector.broadcast %div3A_40 : f32 to vector<1x64xf32>
      %div3A_42 = arith.divf %div3A_41, %sqrt3A : vector<1x64xf32>
      %get3A_43 = arith.constant 0 : index
      %get3A_44 = arith.constant 0 : index
      %get3A_45 = vector.load %arg5[%get3A_43, %get3A_44] : memref<8x64xf32, #tpu.memory_space<vmem>>, vector<8x64xf32>
      %mul3A_46 = vector.broadcast %div3A_42 : vector<1x64xf32> to vector<8x64xf32>
      %mul3A_47 = arith.mulf %get3A_45, %mul3A_46 : vector<8x64xf32>
      %get3A_48 = arith.constant 0 : index
      %get3A_49 = arith.constant 0 : index
      %get3A_50 = vector.load %arg6[%get3A_48, %get3A_49] : memref<8x64xf32, #tpu.memory_space<vmem>>, vector<8x64xf32>
      %dot_general3A = arith.constant dense<0.000000e+00> : vector<256x64xf32>
      %dot_general3A_51 = tpu.matmul %get3A_6, %get3A_50, %dot_general3A {dimension_numbers = #tpu.dot_dimension_numbers<[1], [0], [0], [1], [0, 0, 1, 1], [], []>, transpose_lhs_hint = false} : vector<256x8xf32>, vector<8x64xf32>, vector<256x64xf32> -> vector<256x64xf32>
      %mul3A_52 = vector.broadcast %div3A_42 : vector<1x64xf32> to vector<256x64xf32>
      %mul3A_53 = arith.mulf %dot_general3A_51, %mul3A_52 : vector<256x64xf32>
      %mul3A_54 = arith.mulf %div3A_31, %div3A_42 : vector<1x64xf32>
      %sub3A_55 = vector.broadcast %mul3A_54 : vector<1x64xf32> to vector<256x64xf32>
      %sub3A_56 = arith.subf %mul3A_53, %sub3A_55 : vector<256x64xf32>
      %dot_general3A_57 = arith.constant dense<0.000000e+00> : vector<5120x64xf32>
      %dot_general3A_58 = tpu.matmul %reshape3A, %mul3A_47, %dot_general3A_57 {dimension_numbers = #tpu.dot_dimension_numbers<[1], [0], [0], [1], [0, 0, 1, 1], [], []>, transpose_lhs_hint = false} : vector<5120x8xf32>, vector<8x64xf32>, vector<5120x64xf32> -> vector<5120x64xf32>
      %reshape3A_59 = vector.shape_cast %dot_general3A_58 : vector<5120x64xf32> to vector<20x256x64xf32>
      %broadcast_in_dim3A = vector.shape_cast %sub3A_56 : vector<256x64xf32> to vector<1x256x64xf32>
      %add3A_60 = vector.broadcast %broadcast_in_dim3A : vector<1x256x64xf32> to vector<20x256x64xf32>
      %add3A_61 = arith.addf %reshape3A_59, %add3A_60 : vector<20x256x64xf32>
      %ge3A = arith.constant 0.000000e+00 : f32
      %ge3A_62 = vector.broadcast %ge3A : f32 to vector<20x256x64xf32>
      %ge3A_63 = arith.cmpf oge, %add3A_61, %ge3A_62 : vector<20x256x64xf32>
      %mul3A_64 = arith.constant 2.000000e-01 : f32
      %mul3A_65 = vector.broadcast %mul3A_64 : f32 to vector<20x256x64xf32>
      %mul3A_66 = arith.mulf %mul3A_65, %add3A_61 : vector<20x256x64xf32>
      %select_n3A = arith.select %ge3A_63, %add3A_61, %mul3A_66 : vector<20x256x64xi1>, vector<20x256x64xf32>
      %reshape3A_67 = vector.shape_cast %select_n3A : vector<20x256x64xf32> to vector<5120x64xf32>
      %broadcast_in_dim3A_68 = arith.constant 0.000000e+00 : f32
      %broadcast_in_dim3A_69 = vector.broadcast %broadcast_in_dim3A_68 : f32 to vector<20x256x64xf32>
      %get3A_70 = arith.constant 0 : index
      %get3A_71 = arith.constant 0 : index
      %get3A_72 = arith.constant 0 : index
      %get3A_73 = vector.load %arg7[%get3A_70, %get3A_71, %get3A_72] : memref<6x64x64xf32, #tpu.memory_space<vmem>>, vector<1x64x64xf32>
      %get3A_74 = vector.shape_cast %get3A_73 : vector<1x64x64xf32> to vector<64x64xf32>
      %dot_general3A_75 = arith.constant dense<0.000000e+00> : vector<5120x64xf32>
      %dot_general3A_76 = tpu.matmul %reshape3A_67, %get3A_74, %dot_general3A_75 {dimension_numbers = #tpu.dot_dimension_numbers<[1], [0], [0], [1], [0, 0, 1, 1], [], []>, transpose_lhs_hint = false} : vector<5120x64xf32>, vector<64x64xf32>, vector<5120x64xf32> -> vector<5120x64xf32>
      %reshape3A_77 = vector.shape_cast %dot_general3A_76 : vector<5120x64xf32> to vector<20x256x64xf32>
      %slice3A = vector.extract_strided_slice %get3A_12 {offsets = [0, 0, 0], sizes = [20, 256, 1], strides = [1, 1, 1]} : vector<20x256x8xf32> to vector<20x256x1xf32>
      %slice3A_78 = vector.extract_strided_slice %get3A_6 {offsets = [0, 0], sizes = [256, 1], strides = [1, 1]} : vector<256x8xf32> to vector<256x1xf32>
      %broadcast_in_dim3A_79 = vector.shape_cast %slice3A_78 : vector<256x1xf32> to vector<1x256x1xf32>
      %sub3A_80 = vector.broadcast %broadcast_in_dim3A_79 : vector<1x256x1xf32> to vector<20x256x1xf32>
      %sub3A_81 = arith.subf %slice3A, %sub3A_80 : vector<20x256x1xf32>
      %mul3A_82 = vector.broadcast %sub3A_81 : vector<20x256x1xf32> to vector<20x256x64xf32>
      %mul3A_83 = arith.mulf %reshape3A_77, %mul3A_82 : vector<20x256x64xf32>
      %add3A_84 = arith.addf %broadcast_in_dim3A_69, %mul3A_83 : vector<20x256x64xf32>
      %get3A_85 = arith.constant 1 : index
      %get3A_86 = arith.constant 0 : index
      %get3A_87 = arith.constant 0 : index
      %get3A_88 = vector.load %arg7[%get3A_85, %get3A_86, %get3A_87] : memref<6x64x64xf32, #tpu.memory_space<vmem>>, vector<1x64x64xf32>
      %get3A_89 = vector.shape_cast %get3A_88 : vector<1x64x64xf32> to vector<64x64xf32>
      %dot_general3A_90 = arith.constant dense<0.000000e+00> : vector<5120x64xf32>
      %dot_general3A_91 = tpu.matmul %reshape3A_67, %get3A_89, %dot_general3A_90 {dimension_numbers = #tpu.dot_dimension_numbers<[1], [0], [0], [1], [0, 0, 1, 1], [], []>, transpose_lhs_hint = false} : vector<5120x64xf32>, vector<64x64xf32>, vector<5120x64xf32> -> vector<5120x64xf32>
      %reshape3A_92 = vector.shape_cast %dot_general3A_91 : vector<5120x64xf32> to vector<20x256x64xf32>
      %slice3A_93 = vector.extract_strided_slice %get3A_12 {offsets = [0, 0, 1], sizes = [20, 256, 1], strides = [1, 1, 1]} : vector<20x256x8xf32> to vector<20x256x1xf32>
      %slice3A_94 = vector.extract_strided_slice %get3A_6 {offsets = [0, 1], sizes = [256, 1], strides = [1, 1]} : vector<256x8xf32> to vector<256x1xf32>
      %broadcast_in_dim3A_95 = vector.shape_cast %slice3A_94 : vector<256x1xf32> to vector<1x256x1xf32>
      %sub3A_96 = vector.broadcast %broadcast_in_dim3A_95 : vector<1x256x1xf32> to vector<20x256x1xf32>
      %sub3A_97 = arith.subf %slice3A_93, %sub3A_96 : vector<20x256x1xf32>
      %mul3A_98 = vector.broadcast %sub3A_97 : vector<20x256x1xf32> to vector<20x256x64xf32>
      %mul3A_99 = arith.mulf %reshape3A_92, %mul3A_98 : vector<20x256x64xf32>
      %add3A_100 = arith.addf %add3A_84, %mul3A_99 : vector<20x256x64xf32>
      %get3A_101 = arith.constant 2 : index
      %get3A_102 = arith.constant 0 : index
      %get3A_103 = arith.constant 0 : index
      %get3A_104 = vector.load %arg7[%get3A_101, %get3A_102, %get3A_103] : memref<6x64x64xf32, #tpu.memory_space<vmem>>, vector<1x64x64xf32>
      %get3A_105 = vector.shape_cast %get3A_104 : vector<1x64x64xf32> to vector<64x64xf32>
      %dot_general3A_106 = arith.constant dense<0.000000e+00> : vector<5120x64xf32>
      %dot_general3A_107 = tpu.matmul %reshape3A_67, %get3A_105, %dot_general3A_106 {dimension_numbers = #tpu.dot_dimension_numbers<[1], [0], [0], [1], [0, 0, 1, 1], [], []>, transpose_lhs_hint = false} : vector<5120x64xf32>, vector<64x64xf32>, vector<5120x64xf32> -> vector<5120x64xf32>
      %reshape3A_108 = vector.shape_cast %dot_general3A_107 : vector<5120x64xf32> to vector<20x256x64xf32>
      %slice3A_109 = vector.extract_strided_slice %get3A_12 {offsets = [0, 0, 2], sizes = [20, 256, 1], strides = [1, 1, 1]} : vector<20x256x8xf32> to vector<20x256x1xf32>
      %slice3A_110 = vector.extract_strided_slice %get3A_6 {offsets = [0, 2], sizes = [256, 1], strides = [1, 1]} : vector<256x8xf32> to vector<256x1xf32>
      %broadcast_in_dim3A_111 = vector.shape_cast %slice3A_110 : vector<256x1xf32> to vector<1x256x1xf32>
      %sub3A_112 = vector.broadcast %broadcast_in_dim3A_111 : vector<1x256x1xf32> to vector<20x256x1xf32>
      %sub3A_113 = arith.subf %slice3A_109, %sub3A_112 : vector<20x256x1xf32>
      %mul3A_114 = vector.broadcast %sub3A_113 : vector<20x256x1xf32> to vector<20x256x64xf32>
      %mul3A_115 = arith.mulf %reshape3A_108, %mul3A_114 : vector<20x256x64xf32>
      %add3A_116 = arith.addf %add3A_100, %mul3A_115 : vector<20x256x64xf32>
      %get3A_117 = arith.constant 3 : index
      %get3A_118 = arith.constant 0 : index
      %get3A_119 = arith.constant 0 : index
      %get3A_120 = vector.load %arg7[%get3A_117, %get3A_118, %get3A_119] : memref<6x64x64xf32, #tpu.memory_space<vmem>>, vector<1x64x64xf32>
      %get3A_121 = vector.shape_cast %get3A_120 : vector<1x64x64xf32> to vector<64x64xf32>
      %dot_general3A_122 = arith.constant dense<0.000000e+00> : vector<5120x64xf32>
      %dot_general3A_123 = tpu.matmul %reshape3A_67, %get3A_121, %dot_general3A_122 {dimension_numbers = #tpu.dot_dimension_numbers<[1], [0], [0], [1], [0, 0, 1, 1], [], []>, transpose_lhs_hint = false} : vector<5120x64xf32>, vector<64x64xf32>, vector<5120x64xf32> -> vector<5120x64xf32>
      %reshape3A_124 = vector.shape_cast %dot_general3A_123 : vector<5120x64xf32> to vector<20x256x64xf32>
      %slice3A_125 = vector.extract_strided_slice %get3A_6 {offsets = [0, 0], sizes = [256, 1], strides = [1, 1]} : vector<256x8xf32> to vector<256x1xf32>
      %broadcast_in_dim3A_126 = vector.shape_cast %slice3A_125 : vector<256x1xf32> to vector<1x256x1xf32>
      %broadcast_in_dim3A_127 = vector.shape_cast %broadcast_in_dim3A_126 : vector<1x256x1xf32> to vector<1x256x1xf32>
      %broadcast_in_dim3A_128 = vector.broadcast %broadcast_in_dim3A_127 : vector<1x256x1xf32> to vector<20x256x1xf32>
      %mul3A_129 = vector.broadcast %broadcast_in_dim3A_128 : vector<20x256x1xf32> to vector<20x256x64xf32>
      %mul3A_130 = arith.mulf %reshape3A_124, %mul3A_129 : vector<20x256x64xf32>
      %add3A_131 = arith.addf %add3A_116, %mul3A_130 : vector<20x256x64xf32>
      %get3A_132 = arith.constant 4 : index
      %get3A_133 = arith.constant 0 : index
      %get3A_134 = arith.constant 0 : index
      %get3A_135 = vector.load %arg7[%get3A_132, %get3A_133, %get3A_134] : memref<6x64x64xf32, #tpu.memory_space<vmem>>, vector<1x64x64xf32>
      %get3A_136 = vector.shape_cast %get3A_135 : vector<1x64x64xf32> to vector<64x64xf32>
      %dot_general3A_137 = arith.constant dense<0.000000e+00> : vector<5120x64xf32>
      %dot_general3A_138 = tpu.matmul %reshape3A_67, %get3A_136, %dot_general3A_137 {dimension_numbers = #tpu.dot_dimension_numbers<[1], [0], [0], [1], [0, 0, 1, 1], [], []>, transpose_lhs_hint = false} : vector<5120x64xf32>, vector<64x64xf32>, vector<5120x64xf32> -> vector<5120x64xf32>
      %reshape3A_139 = vector.shape_cast %dot_general3A_138 : vector<5120x64xf32> to vector<20x256x64xf32>
      %slice3A_140 = vector.extract_strided_slice %get3A_6 {offsets = [0, 1], sizes = [256, 1], strides = [1, 1]} : vector<256x8xf32> to vector<256x1xf32>
      %broadcast_in_dim3A_141 = vector.shape_cast %slice3A_140 : vector<256x1xf32> to vector<1x256x1xf32>
      %broadcast_in_dim3A_142 = vector.shape_cast %broadcast_in_dim3A_141 : vector<1x256x1xf32> to vector<1x256x1xf32>
      %broadcast_in_dim3A_143 = vector.broadcast %broadcast_in_dim3A_142 : vector<1x256x1xf32> to vector<20x256x1xf32>
      %mul3A_144 = vector.broadcast %broadcast_in_dim3A_143 : vector<20x256x1xf32> to vector<20x256x64xf32>
      %mul3A_145 = arith.mulf %reshape3A_139, %mul3A_144 : vector<20x256x64xf32>
      %add3A_146 = arith.addf %add3A_131, %mul3A_145 : vector<20x256x64xf32>
      %get3A_147 = arith.constant 5 : index
      %get3A_148 = arith.constant 0 : index
      %get3A_149 = arith.constant 0 : index
      %get3A_150 = vector.load %arg7[%get3A_147, %get3A_148, %get3A_149] : memref<6x64x64xf32, #tpu.memory_space<vmem>>, vector<1x64x64xf32>
      %get3A_151 = vector.shape_cast %get3A_150 : vector<1x64x64xf32> to vector<64x64xf32>
      %dot_general3A_152 = arith.constant dense<0.000000e+00> : vector<5120x64xf32>
      %dot_general3A_153 = tpu.matmul %reshape3A_67, %get3A_151, %dot_general3A_152 {dimension_numbers = #tpu.dot_dimension_numbers<[1], [0], [0], [1], [0, 0, 1, 1], [], []>, transpose_lhs_hint = false} : vector<5120x64xf32>, vector<64x64xf32>, vector<5120x64xf32> -> vector<5120x64xf32>
      %reshape3A_154 = vector.shape_cast %dot_general3A_153 : vector<5120x64xf32> to vector<20x256x64xf32>
      %slice3A_155 = vector.extract_strided_slice %get3A_6 {offsets = [0, 2], sizes = [256, 1], strides = [1, 1]} : vector<256x8xf32> to vector<256x1xf32>
      %broadcast_in_dim3A_156 = vector.shape_cast %slice3A_155 : vector<256x1xf32> to vector<1x256x1xf32>
      %broadcast_in_dim3A_157 = vector.shape_cast %broadcast_in_dim3A_156 : vector<1x256x1xf32> to vector<1x256x1xf32>
      %broadcast_in_dim3A_158 = vector.broadcast %broadcast_in_dim3A_157 : vector<1x256x1xf32> to vector<20x256x1xf32>
      %mul3A_159 = vector.broadcast %broadcast_in_dim3A_158 : vector<20x256x1xf32> to vector<20x256x64xf32>
      %mul3A_160 = arith.mulf %reshape3A_154, %mul3A_159 : vector<20x256x64xf32>
      %add3A_161 = arith.addf %add3A_146, %mul3A_160 : vector<20x256x64xf32>
      %reduce_max3A = arith.constant dense<0xFF800000> : vector<256x64xf32>
      %reduce_max3A_162 = vector.multi_reduction <maximumf>, %add3A_161, %reduce_max3A [0] : vector<20x256x64xf32> to vector<256x64xf32>
      %swap3A = arith.constant 0 : index
      %swap3A_163 = arith.constant 0 : index
      %swap3A_164 = arith.constant 0 : index
      %swap3A_165 = vector.load %arg8[%swap3A, %swap3A_163, %swap3A_164] : memref<1x256x64xf32, #tpu.memory_space<vmem>>, vector<1x256x64xf32>
      %swap3A_166 = vector.shape_cast %swap3A_165 : vector<1x256x64xf32> to vector<256x64xf32>
      %swap3A_167 = vector.shape_cast %reduce_max3A_162 : vector<256x64xf32> to vector<1x256x64xf32>
      tpu.vector_store %arg8[%swap3A, %swap3A_163, %swap3A_164], %swap3A_167 {strides = array<i32>} : memref<1x256x64xf32, #tpu.memory_space<vmem>>, vector<1x256x64xf32>,
      %convert_element_type3A_168 = arith.extui %and3A : i1 to i32
      %cond3A_169 = arith.constant 0 : i32
      %cond3A_170 = arith.cmpi ne, %convert_element_type3A_168, %cond3A_169 : i32
      scf.if %cond3A_170 {
        %broadcast_in_dim3A_192 = arith.constant 0.000000e+00 : f32
        %broadcast_in_dim3A_193 = vector.broadcast %broadcast_in_dim3A_192 : f32 to vector<1x64xf32>
        %swap3A_194 = arith.constant 0 : index
        %swap3A_195 = arith.constant 0 : index
        %swap3A_196 = vector.load %arg9[%swap3A_194, %swap3A_195] : memref<1x64xf32, #tpu.memory_space<vmem>>, vector<1x64xf32>
        tpu.vector_store %arg9[%swap3A_194, %swap3A_195], %broadcast_in_dim3A_193 {strides = array<i32>} : memref<1x64xf32, #tpu.memory_space<vmem>>, vector<1x64xf32>,
        %broadcast_in_dim3A_197 = arith.constant 0.000000e+00 : f32
        %broadcast_in_dim3A_198 = vector.broadcast %broadcast_in_dim3A_197 : f32 to vector<1x64xf32>
        %swap3A_199 = arith.constant 0 : index
        %swap3A_200 = arith.constant 0 : index
        %swap3A_201 = vector.load %arg10[%swap3A_199, %swap3A_200] : memref<1x64xf32, #tpu.memory_space<vmem>>, vector<1x64xf32>
        tpu.vector_store %arg10[%swap3A_199, %swap3A_200], %broadcast_in_dim3A_198 {strides = array<i32>} : memref<1x64xf32, #tpu.memory_space<vmem>>, vector<1x64xf32>,
      } else {
      }
      %reshape3A_171 = vector.shape_cast %add3A_161 : vector<20x256x64xf32> to vector<5120x64xf32>
      %get3A_172 = arith.constant 0 : index
      %get3A_173 = arith.constant 0 : index
      %get3A_174 = vector.load %arg9[%get3A_172, %get3A_173] : memref<1x64xf32, #tpu.memory_space<vmem>>, vector<1x64xf32>
      %reduce_sum3A = arith.constant dense<0.000000e+00> : vector<64xf32>
      %reduce_sum3A_175 = vector.multi_reduction <add>, %reshape3A_171, %reduce_sum3A [0] : vector<5120x64xf32> to vector<64xf32>
      %broadcast_in_dim3A_176 = vector.shape_cast %reduce_sum3A_175 : vector<64xf32> to vector<1x64xf32>
      %add3A_177 = arith.addf %get3A_174, %broadcast_in_dim3A_176 : vector<1x64xf32>
      %swap3A_178 = arith.constant 0 : index
      %swap3A_179 = arith.constant 0 : index
      %swap3A_180 = vector.load %arg9[%swap3A_178, %swap3A_179] : memref<1x64xf32, #tpu.memory_space<vmem>>, vector<1x64xf32>
      tpu.vector_store %arg9[%swap3A_178, %swap3A_179], %add3A_177 {strides = array<i32>} : memref<1x64xf32, #tpu.memory_space<vmem>>, vector<1x64xf32>,
      %get3A_181 = arith.constant 0 : index
      %get3A_182 = arith.constant 0 : index
      %get3A_183 = vector.load %arg10[%get3A_181, %get3A_182] : memref<1x64xf32, #tpu.memory_space<vmem>>, vector<1x64xf32>
      %mul3A_184 = arith.mulf %reshape3A_171, %reshape3A_171 : vector<5120x64xf32>
      %reduce_sum3A_185 = arith.constant dense<0.000000e+00> : vector<64xf32>
      %reduce_sum3A_186 = vector.multi_reduction <add>, %mul3A_184, %reduce_sum3A_185 [0] : vector<5120x64xf32> to vector<64xf32>
      %broadcast_in_dim3A_187 = vector.shape_cast %reduce_sum3A_186 : vector<64xf32> to vector<1x64xf32>
      %add3A_188 = arith.addf %get3A_183, %broadcast_in_dim3A_187 : vector<1x64xf32>
      %swap3A_189 = arith.constant 0 : index
      %swap3A_190 = arith.constant 0 : index
      %swap3A_191 = vector.load %arg10[%swap3A_189, %swap3A_190] : memref<1x64xf32, #tpu.memory_space<vmem>>, vector<1x64xf32>
      tpu.vector_store %arg10[%swap3A_189, %swap3A_190], %add3A_188 {strides = array<i32>} : memref<1x64xf32, #tpu.memory_space<vmem>>, vector<1x64xf32>,
    } else {
    }
    return
  }
  func.func @transform_0(%arg0: i32, %arg1: i32, %arg2: i32) -> (i32, i32, i32) {
    %c0_i32 = arith.constant 0 : i32
    %c0_i32_0 = arith.constant 0 : i32
    return %arg1, %arg2, %c0_i32 : i32, i32, i32
  }
  func.func @transform_1(%arg0: i32, %arg1: i32, %arg2: i32) -> (i32, i32, i32, i32) {
    %c0_i32 = arith.constant 0 : i32
    %c0_i32_0 = arith.constant 0 : i32
    %c0_i32_1 = arith.constant 0 : i32
    return %arg1, %c0_i32, %arg2, %c0_i32_0 : i32, i32, i32, i32
  }
  func.func @transform_2(%arg0: i32, %arg1: i32, %arg2: i32) -> (i32, i32) {
    %c0_i32 = arith.constant 0 : i32
    %c0_i32_0 = arith.constant 0 : i32
    %c0_i32_1 = arith.constant 0 : i32
    return %c0_i32, %c0_i32_0 : i32, i32
  }
  func.func @transform_3(%arg0: i32, %arg1: i32, %arg2: i32) -> (i32, i32) {
    %c0_i32 = arith.constant 0 : i32
    %c0_i32_0 = arith.constant 0 : i32
    %c0_i32_1 = arith.constant 0 : i32
    return %c0_i32, %c0_i32_0 : i32, i32
  }
  func.func @transform_4(%arg0: i32, %arg1: i32, %arg2: i32) -> (i32, i32, i32) {
    %c0_i32 = arith.constant 0 : i32
    %c0_i32_0 = arith.constant 0 : i32
    %c0_i32_1 = arith.constant 0 : i32
    %c0_i32_2 = arith.constant 0 : i32
    return %c0_i32, %c0_i32_0, %c0_i32_1 : i32, i32, i32
  }
  func.func @transform_5(%arg0: i32, %arg1: i32, %arg2: i32) -> (i32, i32, i32) {
    %c0_i32 = arith.constant 0 : i32
    %c0_i32_0 = arith.constant 0 : i32
    return %arg1, %arg2, %c0_i32 : i32, i32, i32
  }
  func.func @transform_6(%arg0: i32, %arg1: i32, %arg2: i32) -> (i32, i32) {
    %c0_i32 = arith.constant 0 : i32
    %c0_i32_0 = arith.constant 0 : i32
    %c0_i32_1 = arith.constant 0 : i32
    return %c0_i32, %c0_i32_0 : i32, i32
  }
  func.func @transform_7(%arg0: i32, %arg1: i32, %arg2: i32) -> (i32, i32) {
    %c0_i32 = arith.constant 0 : i32
    %c0_i32_0 = arith.constant 0 : i32
    %c0_i32_1 = arith.constant 0 : i32
    return %c0_i32, %c0_i32_0 : i32, i32
  }
}

module attributes {stable_mosaic.version = 14 : i64} {
  func.func @_head_kernel(%arg0: memref<8x1024x64xf32, #tpu.memory_space<vmem>>, %arg1: memref<1x64xf32, #tpu.memory_space<vmem>>, %arg2: memref<1x64xf32, #tpu.memory_space<vmem>>, %arg3: memref<64x8xf32, #tpu.memory_space<vmem>>, %arg4: memref<8x1024x8xf32, #tpu.memory_space<vmem>>) attributes {dimension_semantics = [], scalar_prefetch = 0 : i64, scratch_operands = 0 : i64, tpu.core_type = #tpu.core_type<tc>} {
    %get3A = arith.constant 0 : index
    %get3A_0 = arith.constant 0 : index
    %get3A_1 = vector.load %arg1[%get3A, %get3A_0] : memref<1x64xf32, #tpu.memory_space<vmem>>, vector<1x64xf32>
    %div3A = arith.constant 1.638400e+05 : f32
    %div3A_2 = vector.broadcast %div3A : f32 to vector<1x64xf32>
    %div3A_3 = arith.divf %get3A_1, %div3A_2 : vector<1x64xf32>
    %get3A_4 = arith.constant 0 : index
    %get3A_5 = arith.constant 0 : index
    %get3A_6 = vector.load %arg2[%get3A_4, %get3A_5] : memref<1x64xf32, #tpu.memory_space<vmem>>, vector<1x64xf32>
    %div3A_7 = arith.constant 1.638400e+05 : f32
    %div3A_8 = vector.broadcast %div3A_7 : f32 to vector<1x64xf32>
    %div3A_9 = arith.divf %get3A_6, %div3A_8 : vector<1x64xf32>
    %mul3A = arith.mulf %div3A_3, %div3A_3 : vector<1x64xf32>
    %sub3A = arith.subf %div3A_9, %mul3A : vector<1x64xf32>
    %add3A = arith.constant 9.99999974E-6 : f32
    %add3A_10 = vector.broadcast %add3A : f32 to vector<1x64xf32>
    %add3A_11 = arith.addf %sub3A, %add3A_10 : vector<1x64xf32>
    %sqrt3A = math.sqrt %add3A_11 : vector<1x64xf32>
    %div3A_12 = arith.constant 1.000000e+00 : f32
    %div3A_13 = vector.broadcast %div3A_12 : f32 to vector<1x64xf32>
    %div3A_14 = arith.divf %div3A_13, %sqrt3A : vector<1x64xf32>
    %get3A_15 = arith.constant 0 : index
    %get3A_16 = arith.constant 0 : index
    %get3A_17 = arith.constant 0 : index
    %get3A_18 = vector.load %arg0[%get3A_15, %get3A_16, %get3A_17] : memref<8x1024x64xf32, #tpu.memory_space<vmem>>, vector<8x1024x64xf32>
    %reshape3A = vector.shape_cast %get3A_18 : vector<8x1024x64xf32> to vector<8192x64xf32>
    %sub3A_19 = vector.broadcast %div3A_3 : vector<1x64xf32> to vector<8192x64xf32>
    %sub3A_20 = arith.subf %reshape3A, %sub3A_19 : vector<8192x64xf32>
    %mul3A_21 = vector.broadcast %div3A_14 : vector<1x64xf32> to vector<8192x64xf32>
    %mul3A_22 = arith.mulf %sub3A_20, %mul3A_21 : vector<8192x64xf32>
    %ge3A = arith.constant 0.000000e+00 : f32
    %ge3A_23 = vector.broadcast %ge3A : f32 to vector<8192x64xf32>
    %ge3A_24 = arith.cmpf oge, %mul3A_22, %ge3A_23 : vector<8192x64xf32>
    %mul3A_25 = arith.constant 2.000000e-01 : f32
    %mul3A_26 = vector.broadcast %mul3A_25 : f32 to vector<8192x64xf32>
    %mul3A_27 = arith.mulf %mul3A_26, %mul3A_22 : vector<8192x64xf32>
    %select_n3A = arith.select %ge3A_24, %mul3A_22, %mul3A_27 : vector<8192x64xi1>, vector<8192x64xf32>
    %get3A_28 = arith.constant 0 : index
    %get3A_29 = arith.constant 0 : index
    %get3A_30 = vector.load %arg3[%get3A_28, %get3A_29] : memref<64x8xf32, #tpu.memory_space<vmem>>, vector<64x8xf32>
    %dot_general3A = arith.constant dense<0.000000e+00> : vector<8192x8xf32>
    %dot_general3A_31 = tpu.matmul %select_n3A, %get3A_30, %dot_general3A {dimension_numbers = #tpu.dot_dimension_numbers<[1], [0], [0], [1], [0, 0, 1, 1], [], []>, transpose_lhs_hint = false} : vector<8192x64xf32>, vector<64x8xf32>, vector<8192x8xf32> -> vector<8192x8xf32>
    %reduce_sum3A = arith.constant dense<0.000000e+00> : vector<8xf32>
    %reduce_sum3A_32 = vector.multi_reduction <add>, %dot_general3A_31, %reduce_sum3A [0] : vector<8192x8xf32> to vector<8xf32>
    %broadcast_in_dim3A = vector.shape_cast %reduce_sum3A_32 : vector<8xf32> to vector<1x8xf32>
    %div3A_33 = arith.constant 8.192000e+03 : f32
    %div3A_34 = vector.broadcast %div3A_33 : f32 to vector<1x8xf32>
    %div3A_35 = arith.divf %broadcast_in_dim3A, %div3A_34 : vector<1x8xf32>
    %mul3A_36 = arith.mulf %dot_general3A_31, %dot_general3A_31 : vector<8192x8xf32>
    %reduce_sum3A_37 = arith.constant dense<0.000000e+00> : vector<8xf32>
    %reduce_sum3A_38 = vector.multi_reduction <add>, %mul3A_36, %reduce_sum3A_37 [0] : vector<8192x8xf32> to vector<8xf32>
    %broadcast_in_dim3A_39 = vector.shape_cast %reduce_sum3A_38 : vector<8xf32> to vector<1x8xf32>
    %div3A_40 = arith.constant 8.192000e+03 : f32
    %div3A_41 = vector.broadcast %div3A_40 : f32 to vector<1x8xf32>
    %div3A_42 = arith.divf %broadcast_in_dim3A_39, %div3A_41 : vector<1x8xf32>
    %mul3A_43 = arith.mulf %div3A_35, %div3A_35 : vector<1x8xf32>
    %sub3A_44 = arith.subf %div3A_42, %mul3A_43 : vector<1x8xf32>
    %sub3A_45 = vector.broadcast %div3A_35 : vector<1x8xf32> to vector<8192x8xf32>
    %sub3A_46 = arith.subf %dot_general3A_31, %sub3A_45 : vector<8192x8xf32>
    %add3A_47 = arith.constant 9.99999974E-6 : f32
    %add3A_48 = vector.broadcast %add3A_47 : f32 to vector<1x8xf32>
    %add3A_49 = arith.addf %sub3A_44, %add3A_48 : vector<1x8xf32>
    %sqrt3A_50 = math.sqrt %add3A_49 : vector<1x8xf32>
    %div3A_51 = arith.constant 1.000000e+00 : f32
    %div3A_52 = vector.broadcast %div3A_51 : f32 to vector<1x8xf32>
    %div3A_53 = arith.divf %div3A_52, %sqrt3A_50 : vector<1x8xf32>
    %mul3A_54 = vector.broadcast %div3A_53 : vector<1x8xf32> to vector<8192x8xf32>
    %mul3A_55 = arith.mulf %sub3A_46, %mul3A_54 : vector<8192x8xf32>
    %ge3A_56 = arith.constant 0.000000e+00 : f32
    %ge3A_57 = vector.broadcast %ge3A_56 : f32 to vector<8192x8xf32>
    %ge3A_58 = arith.cmpf oge, %mul3A_55, %ge3A_57 : vector<8192x8xf32>
    %mul3A_59 = arith.constant 2.000000e-01 : f32
    %mul3A_60 = vector.broadcast %mul3A_59 : f32 to vector<8192x8xf32>
    %mul3A_61 = arith.mulf %mul3A_60, %mul3A_55 : vector<8192x8xf32>
    %select_n3A_62 = arith.select %ge3A_58, %mul3A_55, %mul3A_61 : vector<8192x8xi1>, vector<8192x8xf32>
    %reshape3A_63 = vector.shape_cast %select_n3A_62 : vector<8192x8xf32> to vector<8x1024x8xf32>
    %swap3A = arith.constant 0 : index
    %swap3A_64 = arith.constant 0 : index
    %swap3A_65 = arith.constant 0 : index
    %swap3A_66 = vector.load %arg4[%swap3A, %swap3A_64, %swap3A_65] : memref<8x1024x8xf32, #tpu.memory_space<vmem>>, vector<8x1024x8xf32>
    tpu.vector_store %arg4[%swap3A, %swap3A_64, %swap3A_65], %reshape3A_63 {strides = array<i32>} : memref<8x1024x8xf32, #tpu.memory_space<vmem>>, vector<8x1024x8xf32>,
    return
  }
}

</mosaic_0001>

<sc_bundles>
// kernel: kernel.6.cloned.1.call-start
scs
__scs_entry_jumppad:
0x0: {  	(pc) =	sbr.rel $0x88, $3  }
0x1: {  	(tag) =	ssettag $0x0;
	lr =	simm.s32 $0x1  }
0x2: {  	[smem:$0x3F9D] =	sst lr;
	_ =	strace $0xD0000000  }
0x3: {  	_ = 	snop  }
0x4: {  	_ = 	snop  }
0x5: {  	_ = 	snop  }
0x6: {  	_ = 	snop  }
0x7: {  	_ = 	snop  }
__scs_overlays_trampoline_lowered:
0x8: {  	[smem:$0x3FAC] =	sst s0  }
0x9: {  	[smem:$0x3FAD] =	sst s1  }
0xa: {  	[smem:$0x3FAE] =	sst s2  }
0xb: {  	[smem:$0x3FAF] =	sst s3  }
0xc: {  	[smem:$0x3FB0] =	sst s4  }
0xd: {  	[smem:$0x3FB1] =	sst s5  }
0xe: {  	[smem:$0x3FB2] =	sst s6  }
0xf: {  	[smem:$0x3FB3] =	sst s7  }
0x10: {  	[smem:$0x3FB4] =	sst s8  }
0x11: {  	[smem:$0x3FB5] =	sst s9;
	s0 =	simm.s32 @!p0 $0x0  }
0x12: {  	s1 =	sld [smem:$0x3F9B];
	s0 =	simm.s32 @p0 $0x1  }
0x13: {  	[smem:$0x3FB6] =	sst s0;
	s0 =	simm.s32 @!p1 $0x0  }
0x14: {  	s2 =	sld [smem:$0x3F9A];
	s0 =	simm.s32 @p1 $0x1  }
0x15: {  	[smem:$0x3FB7] =	sst s0;
	s0 =	simm.s32 @!p2 $0x0  }
0x16: {  	s3 =	sld [smem:$0x3FDB];
	s0 =	simm.s32 @p2 $0x1  }
0x17: {  	s4 =	simm.s32 $0x1BF5;
	[smem:$0x3FB9] =	sst s0  }
0x18: {  	s0 =	sld [smem:$0x3F9C];
	_ =	swait.ge [sflag:s4], $0x0  }
0x19: {  	s7 =	sld [smem:$0x3F9D]  }
0x1a: {  	s8 =	sadd.s32 $0xFFFFE003, lr  }
0x1b: {  	s9 =	sadd.s32 $0xFFFFFEF7, lr;
	s5 =	simm.s32 $0xFFFFFFFF;
	p2 =	slt.u32 s8, $0xFFFFF086  }
0x1c: {  	p1 =	slt.u32 s9, $0xF7A;
	s5 =	simm.s32 @!p2 $0x0  }
0x1d: {  	s5 =	simm.s32 @p1 $0x1;
	p0 =	seq.s32 s7, s2  }
0x1e: {  	s7 =	smul.u32 @!p0 $0xF7A, s2;
	p2 =	seq.s32 @!p0 s5, $0x0  }
0x1f: {  	s9 =	smul.u32 $0xF7A, s1;
	s8 =	simm.s32 @!p0 $0x1BF5;
	p2 =	por !p2, p0  }
0x20: {  	[sflag:s8] =	ssyncset.s32 @!p0 $0xFFFFF086;
	s6 =	sadd.s32 @!p0 s3, s7;
	s7 =	simm.s32 @!p0 $0x108  }
0x21: {  	s3 =	sadd.s32 s3, s9;
	s6 =	sadd.s32 @!p0 $0x88, s6;
	s7 =	simm.s32 @p2 $0x1082  }
0x22: {  	[simem:s7], [sflag:s8] =	dma.local @!p0 [hbm:s6], $0xF7A  }
0x23: {  	s9 =	sor.u32 $0xD0000000, s2;
	s6 =	simm.s32 $0x108;
	_ =	swait.ge @!p0 [sflag:s8], $0x0  }
0x24: {  	s3 =	sadd.s32 $0x88, s3;
	s6 =	simm.s32 @!p1 $0x1082;
	[sflag:s4] =	ssyncset.s32 $0xFFFFF086  }
0x25: {  	[simem:s6], [sflag:s4] =	dma.local [hbm:s3], $0xF7A  }
0x26: {  	[smem:$0x3F9D] =	sst s1;
	(tag) =	ssettag s2;
	_ =	strace s9  }
0x27: {  	s1 =	sld [smem:$0x3FAD]  }
0x28: {  	s2 =	sld [smem:$0x3FAE]  }
0x29: {  	s4 =	sld [smem:$0x3FB0]  }
0x2a: {  	p0 =	seq.s32 s5, $0x0;
	s5 =	sld [smem:$0x3FB1]  }
0x2b: {  	s6 =	sld [smem:$0x3FB2]  }
0x2c: {  	s7 =	sld [smem:$0x3FB3]  }
0x2d: {  	s3 =	simm.s32 $0x108;
	s8 =	sld [smem:$0x3FB4]  }
0x2e: {  	s3 =	simm.s32 @!p0 $0x1082;
	s9 =	sld [smem:$0x3FB5]  }
0x2f: {  	lr =	sadd.s32 s0, s3;
	s0 =	sld [smem:$0x3FAC]  }
0x30: {  	s3 =	sld [smem:$0x3FAF]  }
0x31: {  	[smem:$0x3FB8] =	sst s10  }
0x32: {  	s10 =	sld [smem:$0x3FB6];
	_ =	sdelay $0x3  }
0x33: {  	p0 =	seq.s32 s10, $0x1;
	s10 =	sld [smem:$0x3FB8];
	_ =	sdelay $0x3  }
0x34: {  	[smem:$0x3FB8] =	sst s10  }
0x35: {  	s10 =	sld [smem:$0x3FB7];
	_ =	sdelay $0x3  }
0x36: {  	p1 =	seq.s32 s10, $0x1;
	s10 =	sld [smem:$0x3FB8];
	_ =	sdelay $0x3  }
0x37: {  	[smem:$0x3FB8] =	sst s10  }
0x38: {  	s10 =	sld [smem:$0x3FB9]  }
0x39: {  	_ = 	snop;
	(pc) =	sbr.ind lr, $3  }
0x3a: {  	_ = 	snop  }
0x3b: {  	_ = 	snop  }
0x3c: {  	p2 =	seq.s32 s10, $0x1;
	s10 =	sld [smem:$0x3FB8]  }
0x3d: {  	_ =	shalt  }
0x3e: {  	_ =	shalt  }
0x3f: {  	_ =	shalt  }
0x40: {  	_ =	shalt  }
0x41: {  	_ =	shalt  }
0x42: {  	_ =	shalt  }
0x43: {  	_ =	shalt  }
0x44: {  	_ =	shalt  }
0x45: {  	_ =	shalt  }
0x46: {  	_ =	shalt  }
0x47: {  	_ =	shalt  }
0x48: {  	_ =	shalt  }
0x49: {  	_ =	shalt  }
0x4a: {  	_ =	shalt  }
0x4b: {  	_ =	shalt  }
0x4c: {  	_ =	shalt  }
0x4d: {  	_ =	shalt  }
0x4e: {  	_ =	shalt  }
0x4f: {  	_ =	shalt  }
0x50: {  	_ =	shalt  }
0x51: {  	_ =	shalt  }
0x52: {  	_ =	shalt  }
0x53: {  	_ =	shalt  }
0x54: {  	_ =	shalt  }
0x55: {  	_ =	shalt  }
0x56: {  	_ =	shalt  }
0x57: {  	_ =	shalt  }
0x58: {  	_ =	shalt  }
0x59: {  	_ =	shalt  }
0x5a: {  	_ =	shalt  }
0x5b: {  	_ =	shalt  }
0x5c: {  	_ =	shalt  }
0x5d: {  	_ =	shalt  }
0x5e: {  	_ =	shalt  }
0x5f: {  	_ =	shalt  }
0x60: {  	_ =	shalt  }
0x61: {  	_ =	shalt  }
0x62: {  	_ =	shalt  }
0x63: {  	_ =	shalt  }
0x64: {  	_ =	shalt  }
0x65: {  	_ =	shalt  }
0x66: {  	_ =	shalt  }
0x67: {  	_ =	shalt  }
0x68: {  	_ =	shalt  }
0x69: {  	_ =	shalt  }
0x6a: {  	_ =	shalt  }
0x6b: {  	_ =	shalt  }
0x6c: {  	_ =	shalt  }
0x6d: {  	_ =	shalt  }
0x6e: {  	_ =	shalt  }
0x6f: {  	_ =	shalt  }
0x70: {  	_ =	shalt  }
0x71: {  	_ =	shalt  }
0x72: {  	_ =	shalt  }
0x73: {  	_ =	shalt  }
0x74: {  	_ =	shalt  }
0x75: {  	_ =	shalt  }
0x76: {  	_ =	shalt  }
0x77: {  	_ =	shalt  }
0x78: {  	_ =	shalt  }
0x79: {  	_ =	shalt  }
0x7a: {  	_ =	shalt  }
0x7b: {  	_ =	shalt  }
0x7c: {  	_ =	shalt  }
0x7d: {  	_ =	shalt  }
0x7e: {  	_ =	shalt  }
0x7f: {  	_ =	shalt  }
0x80: {  	_ =	shalt  }
0x81: {  	_ =	shalt  }
0x82: {  	_ =	shalt  }
0x83: {  	_ =	shalt  }
0x84: {  	_ =	shalt  }
0x85: {  	_ =	shalt  }
0x86: {  	_ =	shalt  }
0x87: {  	_ =	shalt  }
.Lfunc_end0:
.L_simem_size_0:
called_computation_lowered:
.L_overlay_start_0:
0x88: {  	s2 =	sld [smem:$0x3FD9]  }
0x89: {  	s3 =	sld [smem:$0x3FFE];
	_ =	sdelay $0x1  }
0x8a: {  	s1 =	srdreg.scid  }
0x8b: {  	s0 =	sand.u32 $0x1, s1  }
0x8c: {  	s16 =	sshll.u32 s0, $0xA;
	s2 =	sadd.s32 s3, s2  }
0x8d: {  	s2 =	sadd.s32 s2, s16  }
0x8e: {  	[smem:$0x3FC4] =	sst s2  }
0x8f: {  	_ = 	snop  }
0x90: {  	(tm) =	ssettm $0x1  }
0x91: {  	s17 =	sld [smem:$0x3FFB];
	_ =	sdelay $0x3  }
0x92: {  	_ =	strace s17  }
0x93: {  	s2 =	sld [smem:$0x3FFC];
	_ =	sdelay $0x3  }
0x94: {  	_ =	strace s2  }
0x95: {  	s2 =	sld [smem:$0x3FFD];
	_ =	sdelay $0x3  }
0x96: {  	_ =	strace s2  }
0x97: {  	_ =	strace $0x8FFFFFFF  }
0x98: {  	s18 =	sld [smem:$0x3FDB];
	_ =	sdelay $0x1  }
0x99: {  	s19 =	simm.s32 $_scs_section_size  }
0x9a: {  	s4 =	simm.s32 $_size__tile_overlayer_lowered;
	s5 =	simm.s32 $_tile_overlayer_lowered  }
0x9b: {  	s22 =	simm.s32 $0x1BFF;
	s21 =	sshll.u32 s5, $0x1;
	s2 =	sadd.s32 s19, s18  }
0x9c: {  	s6 =	simm.s32 $0x0;
	s20 =	sshll.u32 s4, $0x1;
	s4 =	sadd.s32 s21, s2  }
0x9d: {  	[timem:s6], [sflag:s22] =	dma.local [hbm:s4], s20  }
0x9e: {  	_ =	swait.ge [sflag:s22], s20  }
0x9f: {  	s3 =	ssub.s32 $0x0, s20;
	[sflag:s22] =	ssyncset.done $0x0  }
0xa0: {  	[sflag:s22] =	ssyncadd.s32 s3;
	_ =	sdelay $0x1  }
0xa1: {  	s23 =	simm.s32 $0x1B8B  }
0xa2: {  	_ =	swait.ge [sflag:s23], $0x1  }
0xa3: {  	[sflag:s23] =	ssyncset.done $0x0  }
0xa4: {  	s25 =	simm.s32 $0x1B8E;
	s24 =	sld [smem:$0x3FFE];
	[sflag:s23] =	ssyncadd.s32 $0xFFFFFFFF  }
0xa5: {  	s26 =	simm.s32 $execute0_lowered;
	[smem:$0x3FD2] =	sst s25  }
0xa6: {  	s4 =	sshll.u32 s26, $0x1;
	_ =	strace $0x80000046;
	[dreg:$0x1] =	wrdreg $0xFFFFFFFF  }
0xa7: {  	s28 =	simm.s32 $_size_execute0_lowered;
	s2 =	sadd.s32 s2, s4;
	[dreg:$0x0] =	wrdreg $0x0  }
0xa8: {  	s4 =	sshll.u32 s28, $0x1;
	[dreg:$0x2] =	wrdreg s2  }
0xa9: {  	[dreg:$0x3] =	wrdreg s4  }
0xaa: {  	[dreg:$0x4] =	wrdreg $0xC0  }
0xab: {  	_ =	task [dreg:s6], $0x5FFFF  }
0xac: {  	[dreg:$0x1] =	wrdreg $0xFFFFFFFF  }
0xad: {  	[dreg:$0x0] =	wrdreg $0x60  }
0xae: {  	[dreg:$0x2] =	wrdreg s24  }
0xaf: {  	[dreg:$0x3] =	wrdreg $0x9  }
0xb0: {  	_ =	task.clear_ibuf [dreg:s6], $0x4FFFF;
	_ =	strace $0x90000046  }
0xb1: {  	s29 =	simm.s32 $0x9;
	_ =	strace $0x80000048  }
0xb2: {  	_ =	swait.ge [sflag:s29], $0x1  }
0xb3: {  	[sflag:s29] =	ssyncadd.s32 $0xFFFFFFFF  }
0xb4: {  	_ =	strace $0x90000048  }
0xb5: {  	_ =	sfence  }
0xb6: {  	s30 =	sld [smem:$0x0];
	_ =	sdelay $0x2  }
0xb7: {  	s31 =	sshll.u32 s1, $0xD;
	s1 =	sshrl.u32 s1, $0x2  }
0xb8: {  	s3 =	sand.u32 $0x4000, s31;
	s1 =	sadd.s32 s1, s30  }
0xb9: {  	s0 =	sor.u32 s3, s0;
	s1 =	sshll.u32 s1, $0x11  }
0xba: {  	s0 =	sor.u32 s1, s0  }
0xbb: {  	s0 =	sadd.s32 $0x8F2B, s0  }
0xbc: {  	[sflag:s0] =	ssyncadd.remote.s32 $0x1  }
0xbd: {  	_ =	sfence.sel $0xFFFF  }
0xbe: {  	[dreg:$0x0] =	wrdreg $0xFFFFFFFF;
	(pc) =	sbr.abs _section_cstart, $3  }
0xbf: {  	[dreg:$0x1] =	wrdreg $0xFFFFFFFF  }
0xc0: {  	_ =	task.clear_ibuf [dreg:s6], $0x2FFFF;
	_ =	strace $0x9FFFFFFF  }
0xc1: {  	(tm) =	ssettm $0x7FFFFFFF  }
tec
execute0_lowered:
.L_overlay_start_1:
0x0: {  	(tag) =	ssettag $0x1  }
0x1: {  	s0 =	stileid.u32;
	s1 =	srdreg.scid  }
0x2: {  	s3 =	rddreg [dreg:$0x0];
	s9 =	simm.s32 $0x1;
	s2 =	sshll.u32 s0, $0x1  }
0x3: {  	s10 =	simm.s32 $0x3400;
	s4 =	sand.u32 $0x1, s1;
	s2 =	sand.u32 $0x2, s2  }
0x4: {  	s11 =	simm.s32 $0x0;
	s5 =	sshll.u32 s0, $0x6;
	s6 =	sor.u32 s4, s2  }
0x5: {  	s1 =	rddreg [dreg:$0x1];
	s5 =	sand.u32 $0x380, s5;
	s7 =	smul.u32 $0xA000, s6  }
0x6: {  	s2 =	simm.s32 $0x0;
	s8 =	sshrl.u32 s5, $0x3;
	s6 =	smul.u32 $0x50000, s6  }
0x7: {  	v0 =	vlaneseq.u32;
	s4 =	ssub.s32 $0x2, s4;
	[smem:$0x7FF] =	sst s2;
	s8 =	sadd.s32 s8, s3  }
0x8: {  	v0 =	vmul.u32 $0x8, v0;
	s31 =	sshrl.u32 s4, $0x1;
	s7 =	sor.u32 s5, s7;
	s5 =	sor.u32 s5, s6  }
0x9: {  	_ =	strace $0x80000047;
	s30 =	sshrl.u32 s7, $0x3;
	s5 =	sshrl.u32 s5, $0x3  }
0xa: {  	v1 =	vor.u32 $0x1, v0;
	s7 =	ssub.s32 s4, s31;
	s6 =	sadd.s32 s30, s3;
	s5 =	sadd.s32 s5, s3  }
0xb: {  	v2 =	vor.u32 $0x2, v0;
	v3 =	vor.u32 $0x3, v0;
	v4 =	vor.u32 $0x4, v0;
	s3 =	sadd.s32 $0x6000, s8;
	s8 =	simm.s32 $0x400;
	s4 =	sadd.s32 $0x1000, s6  }
0xc: {  	v5 =	vor.u32 $0x5, v0;
	v6 =	vor.u32 $0x6, v0;
	v7 =	vor.u32 $0x7, v0;
	s5 =	sadd.s32 $0x8000, s5;
	s6 =	smax.u32 s7, $0x1;
	s7 =	simm.s32 $0x80  }
.LBB2_1:
0xd: {  	[tilespmem:s2], [sflag:$0x1] =	stream.strided.gather [hbm4b:s3+s7], $0x2000, s8, s7, $0x38;
	[tilespmem:$0xD400] =	vst v63  }
0xe: {  	_ =	swait.ge [sflag:s9], $0x2000  }
0xf: {  	[sflag:s9] =	ssyncset.done $0x0  }
0x10: {  	s12 =	simm.s32 $0x2000;
	[sflag:s9] =	ssyncadd.s32 $0xFFFFE000  }
0x11: {  	[tilespmem:s12], [sflag:$0x1] =	stream.strided.gather [hbm4b:s4+s7], $0x1400, s8, s7, $0x38;
	[tilespmem:$0xD400] =	vst v63  }
0x12: {  	_ =	swait.ge [sflag:s9], $0x1400  }
0x13: {  	[sflag:s9] =	ssyncset.done $0x0  }
0x14: {  	s13 =	simm.s32 $0x0;
	[sflag:s9] =	ssyncadd.s32 $0xFFFFEC00  }
.LBB2_2:
0x15: {  	v8 =	vld [tilespmem:s12+$0x0];
	_ =	sdelay $0x2  }
0x16: {  	v9 =	vmov s13  }
0x17: {  	v9 =	vshrl.u32 v9, $0x7  }
0x18: {  	v9 =	vshll.u32 v9, $0x7  }
0x19: {  	v9 =	vbroadcast v9, $0x0;
	_ =	sdelay $0x1  }
0x1a: {  	v11 =	vor.u32 v0, v9;
	v10 =	vld.idx.msk [tilespmem:v8+s2+$0x0], $0xffff  }
0x1b: {  	v12 =	vadd.s32 $0x400, v8;
	_ =	sdelay $0x3  }
0x1c: {  	[tilespmem:v11+s10+$0x0] =	vst.idx.msk $0xffff, v10  }
0x1d: {  	v53 =	vor.u32 v1, v9;
	v10 =	vld.idx.msk [tilespmem:v12+s2+$0x0], $0xffff  }
0x1e: {  	v54 =	vadd.s32 $0x800, v8;
	_ =	sdelay $0x3  }
0x1f: {  	[tilespmem:v53+s10+$0x0] =	vst.idx.msk $0xffff, v10  }
0x20: {  	v55 =	vor.u32 v2, v9;
	v10 =	vld.idx.msk [tilespmem:v54+s2+$0x0], $0xffff  }
0x21: {  	v56 =	vadd.s32 $0xC00, v8;
	_ =	sdelay $0x3  }
0x22: {  	[tilespmem:v55+s10+$0x0] =	vst.idx.msk $0xffff, v10  }
0x23: {  	v57 =	vor.u32 v3, v9;
	v10 =	vld.idx.msk [tilespmem:v56+s2+$0x0], $0xffff  }
0x24: {  	v58 =	vadd.s32 $0x1000, v8;
	_ =	sdelay $0x3  }
0x25: {  	[tilespmem:v57+s10+$0x0] =	vst.idx.msk $0xffff, v10  }
0x26: {  	v59 =	vor.u32 v4, v9;
	v10 =	vld.idx.msk [tilespmem:v58+s2+$0x0], $0xffff  }
0x27: {  	v60 =	vadd.s32 $0x1400, v8;
	_ =	sdelay $0x3  }
0x28: {  	[tilespmem:v59+s10+$0x0] =	vst.idx.msk $0xffff, v10  }
0x29: {  	v61 =	vor.u32 v5, v9;
	v10 =	vld.idx.msk [tilespmem:v60+s2+$0x0], $0xffff  }
0x2a: {  	v62 =	vadd.s32 $0x1800, v8;
	_ =	sdelay $0x3  }
0x2b: {  	[tilespmem:v61+s10+$0x0] =	vst.idx.msk $0xffff, v10  }
0x2c: {  	v63 =	vor.u32 v6, v9;
	v10 =	vld.idx.msk [tilespmem:v62+s2+$0x0], $0xffff  }
0x2d: {  	v8 =	vadd.s32 $0x1C00, v8;
	_ =	sdelay $0x3  }
0x2e: {  	[tilespmem:v63+s10+$0x0] =	vst.idx.msk $0xffff, v10  }
0x2f: {  	p0 =	sne.s32 s13, $0x1F80;
	v9 =	vor.u32 v7, v9;
	v8 =	vld.idx.msk [tilespmem:v8+s2+$0x0], $0xffff  }
.Ltmp0:
0x30: {  	_ = 	snop;
	(pc) =	sbr.rel @p0 .LBB2_2-.Ltmp0, $2  }
0x31: {  	_ =	sdelay $0x2  }
0x32: {  	s12 =	sadd.s32 $0x10, s12;
	s13 =	sadd.s32 $0x80, s13;
	[tilespmem:v9+s10+$0x0] =	vst.idx.msk $0xffff, v8  }
0x33: {  	s12 =	simm.s32 $0x400;
	s13 =	simm.s32 $0x0  }
0x34: {  	s12 =	sand.u32 $0x780, s12;
	s13 =	sand.u32 $0x70, s13  }
0x35: {  	s12 =	sor.u32 s13, s12  }
0x36: {  	v8 =	vld [tilespmem:s12+$0x2000];
	_ =	sdelay $0x1  }
0x37: {  	s24 =	simm.s32 $0x2000  }
0x38: {  	v9 =	vmov s24  }
0x39: {  	v9 =	vshrl.u32 v9, $0x7  }
0x3a: {  	v9 =	vshll.u32 v9, $0x7  }
0x3b: {  	v9 =	vbroadcast v9, $0x0;
	_ =	sdelay $0x1  }
0x3c: {  	v9 =	vor.u32 v0, v9;
	v10 =	vld.idx.msk [tilespmem:v8+s2+$0x0], $0xffff  }
0x3d: {  	v11 =	vadd.s32 $0x400, v8;
	_ =	sdelay $0x3  }
0x3e: {  	s25 =	simm.s32 $0x2001;
	[tilespmem:v9+s10+$0x0] =	vst.idx.msk $0xffff, v10  }
0x3f: {  	v10 =	vor.u32 s25, v0;
	v9 =	vld.idx.msk [tilespmem:v11+s2+$0x0], $0xffff  }
0x40: {  	v11 =	vadd.s32 $0x800, v8;
	_ =	sdelay $0x3  }
0x41: {  	s26 =	simm.s32 $0x2002;
	[tilespmem:v10+s10+$0x0] =	vst.idx.msk $0xffff, v9  }
0x42: {  	v10 =	vor.u32 s26, v0;
	v9 =	vld.idx.msk [tilespmem:v11+s2+$0x0], $0xffff  }
0x43: {  	v11 =	vadd.s32 $0xC00, v8;
	_ =	sdelay $0x3  }
0x44: {  	s28 =	simm.s32 $0x2003;
	[tilespmem:v10+s10+$0x0] =	vst.idx.msk $0xffff, v9  }
0x45: {  	v10 =	vor.u32 s28, v0;
	v9 =	vld.idx.msk [tilespmem:v11+s2+$0x0], $0xffff  }
0x46: {  	v11 =	vadd.s32 $0x1000, v8;
	_ =	sdelay $0x3  }
0x47: {  	s29 =	simm.s32 $0x2004;
	[tilespmem:v10+s10+$0x0] =	vst.idx.msk $0xffff, v9  }
0x48: {  	v10 =	vor.u32 s29, v0;
	v9 =	vld.idx.msk [tilespmem:v11+s2+$0x0], $0xffff  }
0x49: {  	v11 =	vadd.s32 $0x1400, v8;
	_ =	sdelay $0x3  }
0x4a: {  	s30 =	simm.s32 $0x2005;
	[tilespmem:v10+s10+$0x0] =	vst.idx.msk $0xffff, v9  }
0x4b: {  	v10 =	vor.u32 s30, v0;
	v9 =	vld.idx.msk [tilespmem:v11+s2+$0x0], $0xffff  }
0x4c: {  	v11 =	vadd.s32 $0x1800, v8;
	_ =	sdelay $0x3  }
0x4d: {  	s31 =	simm.s32 $0x2006;
	[tilespmem:v10+s10+$0x0] =	vst.idx.msk $0xffff, v9  }
0x4e: {  	v10 =	vor.u32 s31, v0;
	v9 =	vld.idx.msk [tilespmem:v11+s2+$0x0], $0xffff  }
0x4f: {  	v8 =	vadd.s32 $0x1C00, v8;
	_ =	sdelay $0x3  }
0x50: {  	s15 =	simm.s32 $0x2007;
	[tilespmem:v10+s10+$0x0] =	vst.idx.msk $0xffff, v9  }
0x51: {  	v9 =	vor.u32 s15, v0;
	v8 =	vld.idx.msk [tilespmem:v8+s2+$0x0], $0xffff;
	_ =	sdelay $0x1  }
0x52: {  	s16 =	simm.s32 $0x10;
	s14 =	simm.s32 $0x2107;
	s13 =	simm.s32 $0x410  }
0x53: {  	s16 =	sand.u32 $0x70, s16;
	s12 =	simm.s32 $0x2087;
	s15 =	sand.u32 $0x780, s13  }
.LBB2_4:
0x54: {  	p0 =	sne.s32 s14, $0x3F87  }
0x55: {  	s16 =	sor.u32 s16, s15;
	[tilespmem:v9+s10+$0x0] =	vst.idx.msk $0xffff, v8;
	s15 =	smov.u32 s14;
	s14 =	sadd.s32 $0x80, s14  }
0x56: {  	v8 =	vld [tilespmem:s16+$0x2000];
	_ =	sdelay $0x2  }
0x57: {  	s16 =	sadd.s32 $0xFFFFFFF9, s12  }
0x58: {  	v9 =	vmov s16  }
0x59: {  	v9 =	vshrl.u32 v9, $0x7  }
0x5a: {  	v9 =	vshll.u32 v9, $0x7  }
0x5b: {  	v9 =	vbroadcast v9, $0x0  }
0x5c: {  	v10 =	vld.idx.msk [tilespmem:v8+s2+$0x0], $0xffff  }
0x5d: {  	v9 =	vor.u32 v0, v9  }
0x5e: {  	v11 =	vadd.s32 $0x400, v8;
	_ =	sdelay $0x3  }
0x5f: {  	[tilespmem:v9+s10+$0x0] =	vst.idx.msk $0xffff, v10  }
0x60: {  	s16 =	sadd.s32 $0xFFFFFFFA, s12;
	v9 =	vld.idx.msk [tilespmem:v11+s2+$0x0], $0xffff  }
0x61: {  	v10 =	vor.u32 s16, v0  }
0x62: {  	v11 =	vadd.s32 $0x800, v8;
	_ =	sdelay $0x3  }
0x63: {  	[tilespmem:v10+s10+$0x0] =	vst.idx.msk $0xffff, v9  }
0x64: {  	s16 =	sadd.s32 $0xFFFFFFFB, s12;
	v9 =	vld.idx.msk [tilespmem:v11+s2+$0x0], $0xffff  }
0x65: {  	v10 =	vor.u32 s16, v0  }
0x66: {  	v11 =	vadd.s32 $0xC00, v8;
	_ =	sdelay $0x3  }
0x67: {  	[tilespmem:v10+s10+$0x0] =	vst.idx.msk $0xffff, v9  }
0x68: {  	s16 =	sadd.s32 $0xFFFFFFFC, s12;
	v9 =	vld.idx.msk [tilespmem:v11+s2+$0x0], $0xffff  }
0x69: {  	v10 =	vor.u32 s16, v0  }
0x6a: {  	v11 =	vadd.s32 $0x1000, v8;
	_ =	sdelay $0x3  }
0x6b: {  	[tilespmem:v10+s10+$0x0] =	vst.idx.msk $0xffff, v9  }
0x6c: {  	s16 =	sadd.s32 $0xFFFFFFFD, s12;
	v9 =	vld.idx.msk [tilespmem:v11+s2+$0x0], $0xffff  }
0x6d: {  	v10 =	vor.u32 s16, v0  }
0x6e: {  	v11 =	vadd.s32 $0x1400, v8;
	_ =	sdelay $0x3  }
0x6f: {  	[tilespmem:v10+s10+$0x0] =	vst.idx.msk $0xffff, v9  }
0x70: {  	s16 =	sadd.s32 $0xFFFFFFFE, s12;
	v9 =	vld.idx.msk [tilespmem:v11+s2+$0x0], $0xffff  }
0x71: {  	v10 =	vor.u32 s16, v0  }
0x72: {  	v11 =	vadd.s32 $0x1800, v8;
	_ =	sdelay $0x3  }
0x73: {  	[tilespmem:v10+s10+$0x0] =	vst.idx.msk $0xffff, v9  }
0x74: {  	s16 =	sadd.s32 $0xFFFFFFFF, s12;
	v9 =	vld.idx.msk [tilespmem:v11+s2+$0x0], $0xffff  }
0x75: {  	v10 =	vor.u32 s16, v0  }
0x76: {  	v8 =	vadd.s32 $0x1C00, v8;
	_ =	sdelay $0x3  }
0x77: {  	[tilespmem:v10+s10+$0x0] =	vst.idx.msk $0xffff, v9  }
0x78: {  	v8 =	vld.idx.msk [tilespmem:v8+s2+$0x0], $0xffff  }
.Ltmp1:
0x79: {  	v9 =	vor.u32 s12, v0;
	s12 =	smov.u32 s15;
	(pc) =	sbr.rel @p0 .LBB2_4-.Ltmp1, $4  }
0x7a: {  	_ = 	snop  }
0x7b: {  	s13 =	sadd.s32 $0x10, s13  }
0x7c: {  	s16 =	sadd.s32 $0xFFFFFC00, s13  }
0x7d: {  	s16 =	sand.u32 $0x70, s16;
	s15 =	sand.u32 $0x780, s13  }
0x7e: {  	_ =	sdelay $0x3  }
0x7f: {  	s13 =	sor.u32 s16, s15;
	[tilespmem:v9+s10+$0x0] =	vst.idx.msk $0xffff, v8  }
0x80: {  	v8 =	vld [tilespmem:s13+$0x2000];
	_ =	sdelay $0x1  }
0x81: {  	s31 =	sadd.s32 $0xFFFFFFF9, s12  }
0x82: {  	v9 =	vmov s31  }
0x83: {  	v9 =	vshrl.u32 v9, $0x7  }
0x84: {  	v9 =	vshll.u32 v9, $0x7  }
0x85: {  	v9 =	vbroadcast v9, $0x0;
	_ =	sdelay $0x1  }
0x86: {  	v9 =	vor.u32 v0, v9;
	v10 =	vld.idx.msk [tilespmem:v8+s2+$0x0], $0xffff  }
0x87: {  	v11 =	vadd.s32 $0x400, v8;
	_ =	sdelay $0x3  }
0x88: {  	s14 =	sadd.s32 $0xFFFFFFFA, s12;
	[tilespmem:v9+s10+$0x0] =	vst.idx.msk $0xffff, v10  }
0x89: {  	v10 =	vor.u32 s14, v0;
	v9 =	vld.idx.msk [tilespmem:v11+s2+$0x0], $0xffff  }
0x8a: {  	v11 =	vadd.s32 $0x800, v8;
	_ =	sdelay $0x3  }
0x8b: {  	s15 =	sadd.s32 $0xFFFFFFFB, s12;
	[tilespmem:v10+s10+$0x0] =	vst.idx.msk $0xffff, v9  }
0x8c: {  	v10 =	vor.u32 s15, v0;
	v9 =	vld.idx.msk [tilespmem:v11+s2+$0x0], $0xffff  }
0x8d: {  	v11 =	vadd.s32 $0xC00, v8;
	_ =	sdelay $0x3  }
0x8e: {  	s16 =	sadd.s32 $0xFFFFFFFC, s12;
	[tilespmem:v10+s10+$0x0] =	vst.idx.msk $0xffff, v9  }
0x8f: {  	v10 =	vor.u32 s16, v0;
	v9 =	vld.idx.msk [tilespmem:v11+s2+$0x0], $0xffff  }
0x90: {  	v11 =	vadd.s32 $0x1000, v8;
	_ =	sdelay $0x3  }
0x91: {  	s17 =	sadd.s32 $0xFFFFFFFD, s12;
	[tilespmem:v10+s10+$0x0] =	vst.idx.msk $0xffff, v9  }
0x92: {  	v10 =	vor.u32 s17, v0;
	v9 =	vld.idx.msk [tilespmem:v11+s2+$0x0], $0xffff  }
0x93: {  	v11 =	vadd.s32 $0x1400, v8;
	_ =	sdelay $0x3  }
0x94: {  	s18 =	sadd.s32 $0xFFFFFFFE, s12;
	[tilespmem:v10+s10+$0x0] =	vst.idx.msk $0xffff, v9  }
0x95: {  	v10 =	vor.u32 s18, v0;
	v9 =	vld.idx.msk [tilespmem:v11+s2+$0x0], $0xffff  }
0x96: {  	v11 =	vadd.s32 $0x1800, v8;
	_ =	sdelay $0x3  }
0x97: {  	s19 =	sadd.s32 $0xFFFFFFFF, s12;
	[tilespmem:v10+s10+$0x0] =	vst.idx.msk $0xffff, v9  }
0x98: {  	v10 =	vor.u32 s19, v0;
	v9 =	vld.idx.msk [tilespmem:v11+s2+$0x0], $0xffff  }
0x99: {  	v8 =	vadd.s32 $0x1C00, v8;
	_ =	sdelay $0x3  }
0x9a: {  	[tilespmem:v10+s10+$0x0] =	vst.idx.msk $0xffff, v9  }
0x9b: {  	v9 =	vor.u32 s12, v0;
	v8 =	vld.idx.msk [tilespmem:v8+s2+$0x0], $0xffff;
	_ =	sdelay $0x2  }
0x9c: {  	s20 =	simm.s32 $0x800;
	s21 =	simm.s32 $0x0  }
0x9d: {  	s13 =	sand.u32 $0x70, s21;
	s12 =	sand.u32 $0xB80, s20  }
0x9e: {  	s12 =	sor.u32 s13, s12;
	[tilespmem:v9+s10+$0x0] =	vst.idx.msk $0xffff, v8  }
0x9f: {  	v8 =	vld [tilespmem:s12+$0x2000];
	_ =	sdelay $0x1  }
0xa0: {  	s22 =	simm.s32 $0x4000  }
0xa1: {  	v9 =	vmov s22  }
0xa2: {  	v9 =	vshrl.u32 v9, $0x7  }
0xa3: {  	v9 =	vshll.u32 v9, $0x7  }
0xa4: {  	v9 =	vbroadcast v9, $0x0;
	_ =	sdelay $0x1  }
0xa5: {  	v9 =	vor.u32 v0, v9;
	v10 =	vld.idx.msk [tilespmem:v8+s2+$0x0], $0xffff  }
0xa6: {  	v11 =	vadd.s32 $0x400, v8;
	_ =	sdelay $0x3  }
0xa7: {  	s23 =	simm.s32 $0x4001;
	[tilespmem:v9+s10+$0x0] =	vst.idx.msk $0xffff, v10  }
0xa8: {  	v10 =	vor.u32 s23, v0;
	v9 =	vld.idx.msk [tilespmem:v11+s2+$0x0], $0xffff  }
0xa9: {  	v11 =	vadd.s32 $0x800, v8;
	_ =	sdelay $0x3  }
0xaa: {  	s24 =	simm.s32 $0x4002;
	[tilespmem:v10+s10+$0x0] =	vst.idx.msk $0xffff, v9  }
0xab: {  	v10 =	vor.u32 s24, v0;
	v9 =	vld.idx.msk [tilespmem:v11+s2+$0x0], $0xffff  }
0xac: {  	v11 =	vadd.s32 $0xC00, v8;
	_ =	sdelay $0x3  }
0xad: {  	s25 =	simm.s32 $0x4003;
	[tilespmem:v10+s10+$0x0] =	vst.idx.msk $0xffff, v9  }
0xae: {  	v10 =	vor.u32 s25, v0;
	v9 =	vld.idx.msk [tilespmem:v11+s2+$0x0], $0xffff  }
0xaf: {  	v11 =	vadd.s32 $0x1000, v8;
	_ =	sdelay $0x3  }
0xb0: {  	s26 =	simm.s32 $0x4004;
	[tilespmem:v10+s10+$0x0] =	vst.idx.msk $0xffff, v9  }
0xb1: {  	v10 =	vor.u32 s26, v0;
	v9 =	vld.idx.msk [tilespmem:v11+s2+$0x0], $0xffff  }
0xb2: {  	v11 =	vadd.s32 $0x1400, v8;
	_ =	sdelay $0x3  }
0xb3: {  	s28 =	simm.s32 $0x4005;
	[tilespmem:v10+s10+$0x0] =	vst.idx.msk $0xffff, v9  }
0xb4: {  	v10 =	vor.u32 s28, v0;
	v9 =	vld.idx.msk [tilespmem:v11+s2+$0x0], $0xffff  }
0xb5: {  	v11 =	vadd.s32 $0x1800, v8;
	_ =	sdelay $0x3  }
0xb6: {  	s29 =	simm.s32 $0x4006;
	[tilespmem:v10+s10+$0x0] =	vst.idx.msk $0xffff, v9  }
0xb7: {  	v10 =	vor.u32 s29, v0;
	v9 =	vld.idx.msk [tilespmem:v11+s2+$0x0], $0xffff  }
0xb8: {  	v8 =	vadd.s32 $0x1C00, v8;
	_ =	sdelay $0x3  }
0xb9: {  	s30 =	simm.s32 $0x4007;
	[tilespmem:v10+s10+$0x0] =	vst.idx.msk $0xffff, v9  }
0xba: {  	v9 =	vor.u32 s30, v0;
	v8 =	vld.idx.msk [tilespmem:v8+s2+$0x0], $0xffff;
	_ =	sdelay $0x1  }
0xbb: {  	s31 =	simm.s32 $0x10;
	s14 =	simm.s32 $0x4107;
	s13 =	simm.s32 $0x810  }
0xbc: {  	s16 =	sand.u32 $0x70, s31;
	s15 =	sand.u32 $0xB80, s13;
	s12 =	simm.s32 $0x4087  }
.LBB2_6:
0xbd: {  	p0 =	sne.s32 s14, $0x5F87  }
0xbe: {  	s16 =	sor.u32 s16, s15;
	[tilespmem:v9+s10+$0x0] =	vst.idx.msk $0xffff, v8;
	s15 =	smov.u32 s14;
	s14 =	sadd.s32 $0x80, s14  }
0xbf: {  	v8 =	vld [tilespmem:s16+$0x2000];
	_ =	sdelay $0x2  }
0xc0: {  	s16 =	sadd.s32 $0xFFFFFFF9, s12  }
0xc1: {  	v9 =	vmov s16  }
0xc2: {  	v9 =	vshrl.u32 v9, $0x7  }
0xc3: {  	v9 =	vshll.u32 v9, $0x7  }
0xc4: {  	v9 =	vbroadcast v9, $0x0  }
0xc5: {  	v10 =	vld.idx.msk [tilespmem:v8+s2+$0x0], $0xffff  }
0xc6: {  	v9 =	vor.u32 v0, v9  }
0xc7: {  	v11 =	vadd.s32 $0x400, v8;
	_ =	sdelay $0x3  }
0xc8: {  	[tilespmem:v9+s10+$0x0] =	vst.idx.msk $0xffff, v10  }
0xc9: {  	s16 =	sadd.s32 $0xFFFFFFFA, s12;
	v9 =	vld.idx.msk [tilespmem:v11+s2+$0x0], $0xffff  }
0xca: {  	v10 =	vor.u32 s16, v0  }
0xcb: {  	v11 =	vadd.s32 $0x800, v8;
	_ =	sdelay $0x3  }
0xcc: {  	[tilespmem:v10+s10+$0x0] =	vst.idx.msk $0xffff, v9  }
0xcd: {  	s16 =	sadd.s32 $0xFFFFFFFB, s12;
	v9 =	vld.idx.msk [tilespmem:v11+s2+$0x0], $0xffff  }
0xce: {  	v10 =	vor.u32 s16, v0  }
0xcf: {  	v11 =	vadd.s32 $0xC00, v8;
	_ =	sdelay $0x3  }
0xd0: {  	[tilespmem:v10+s10+$0x0] =	vst.idx.msk $0xffff, v9  }
0xd1: {  	s16 =	sadd.s32 $0xFFFFFFFC, s12;
	v9 =	vld.idx.msk [tilespmem:v11+s2+$0x0], $0xffff  }
0xd2: {  	v10 =	vor.u32 s16, v0  }
0xd3: {  	v11 =	vadd.s32 $0x1000, v8;
	_ =	sdelay $0x3  }
0xd4: {  	[tilespmem:v10+s10+$0x0] =	vst.idx.msk $0xffff, v9  }
0xd5: {  	s16 =	sadd.s32 $0xFFFFFFFD, s12;
	v9 =	vld.idx.msk [tilespmem:v11+s2+$0x0], $0xffff  }
0xd6: {  	v10 =	vor.u32 s16, v0  }
0xd7: {  	v11 =	vadd.s32 $0x1400, v8;
	_ =	sdelay $0x3  }
0xd8: {  	[tilespmem:v10+s10+$0x0] =	vst.idx.msk $0xffff, v9  }
0xd9: {  	s16 =	sadd.s32 $0xFFFFFFFE, s12;
	v9 =	vld.idx.msk [tilespmem:v11+s2+$0x0], $0xffff  }
0xda: {  	v10 =	vor.u32 s16, v0  }
0xdb: {  	v11 =	vadd.s32 $0x1800, v8;
	_ =	sdelay $0x3  }
0xdc: {  	[tilespmem:v10+s10+$0x0] =	vst.idx.msk $0xffff, v9  }
0xdd: {  	s16 =	sadd.s32 $0xFFFFFFFF, s12;
	v9 =	vld.idx.msk [tilespmem:v11+s2+$0x0], $0xffff  }
0xde: {  	v10 =	vor.u32 s16, v0  }
0xdf: {  	v8 =	vadd.s32 $0x1C00, v8;
	_ =	sdelay $0x3  }
0xe0: {  	[tilespmem:v10+s10+$0x0] =	vst.idx.msk $0xffff, v9  }
0xe1: {  	v8 =	vld.idx.msk [tilespmem:v8+s2+$0x0], $0xffff  }
.Ltmp2:
0xe2: {  	v9 =	vor.u32 s12, v0;
	s12 =	smov.u32 s15;
	(pc) =	sbr.rel @p0 .LBB2_6-.Ltmp2, $4  }
0xe3: {  	_ = 	snop  }
0xe4: {  	s13 =	sadd.s32 $0x10, s13  }
0xe5: {  	s16 =	sadd.s32 $0xFFFFF800, s13  }
0xe6: {  	s16 =	sand.u32 $0x70, s16;
	s15 =	sand.u32 $0xB80, s13  }
0xe7: {  	_ =	sdelay $0x3  }
0xe8: {  	s13 =	sor.u32 s16, s15;
	[tilespmem:v9+s10+$0x0] =	vst.idx.msk $0xffff, v8  }
0xe9: {  	v8 =	vld [tilespmem:s13+$0x2000];
	_ =	sdelay $0x1  }
0xea: {  	s31 =	sadd.s32 $0xFFFFFFF9, s12  }
0xeb: {  	v9 =	vmov s31  }
0xec: {  	v9 =	vshrl.u32 v9, $0x7  }
0xed: {  	v9 =	vshll.u32 v9, $0x7  }
0xee: {  	v9 =	vbroadcast v9, $0x0;
	_ =	sdelay $0x1  }
0xef: {  	v9 =	vor.u32 v0, v9;
	v10 =	vld.idx.msk [tilespmem:v8+s2+$0x0], $0xffff  }
0xf0: {  	v11 =	vadd.s32 $0x400, v8;
	_ =	sdelay $0x3  }
0xf1: {  	s14 =	sadd.s32 $0xFFFFFFFA, s12;
	[tilespmem:v9+s10+$0x0] =	vst.idx.msk $0xffff, v10  }
0xf2: {  	v10 =	vor.u32 s14, v0;
	v9 =	vld.idx.msk [tilespmem:v11+s2+$0x0], $0xffff  }
0xf3: {  	v11 =	vadd.s32 $0x800, v8;
	_ =	sdelay $0x3  }
0xf4: {  	s15 =	sadd.s32 $0xFFFFFFFB, s12;
	[tilespmem:v10+s10+$0x0] =	vst.idx.msk $0xffff, v9  }
0xf5: {  	v10 =	vor.u32 s15, v0;
	v9 =	vld.idx.msk [tilespmem:v11+s2+$0x0], $0xffff  }
0xf6: {  	v11 =	vadd.s32 $0xC00, v8;
	_ =	sdelay $0x3  }
0xf7: {  	s16 =	sadd.s32 $0xFFFFFFFC, s12;
	[tilespmem:v10+s10+$0x0] =	vst.idx.msk $0xffff, v9  }
0xf8: {  	v10 =	vor.u32 s16, v0;
	v9 =	vld.idx.msk [tilespmem:v11+s2+$0x0], $0xffff  }
0xf9: {  	v11 =	vadd.s32 $0x1000, v8;
	_ =	sdelay $0x3  }
0xfa: {  	s17 =	sadd.s32 $0xFFFFFFFD, s12;
	[tilespmem:v10+s10+$0x0] =	vst.idx.msk $0xffff, v9  }
0xfb: {  	v10 =	vor.u32 s17, v0;
	v9 =	vld.idx.msk [tilespmem:v11+s2+$0x0], $0xffff  }
0xfc: {  	v11 =	vadd.s32 $0x1400, v8;
	_ =	sdelay $0x3  }
0xfd: {  	s18 =	sadd.s32 $0xFFFFFFFE, s12;
	[tilespmem:v10+s10+$0x0] =	vst.idx.msk $0xffff, v9  }
0xfe: {  	v10 =	vor.u32 s18, v0;
	v9 =	vld.idx.msk [tilespmem:v11+s2+$0x0], $0xffff  }
0xff: {  	v11 =	vadd.s32 $0x1800, v8;
	_ =	sdelay $0x3  }
0x100: {  	s19 =	sadd.s32 $0xFFFFFFFF, s12;
	[tilespmem:v10+s10+$0x0] =	vst.idx.msk $0xffff, v9  }
0x101: {  	v10 =	vor.u32 s19, v0;
	v9 =	vld.idx.msk [tilespmem:v11+s2+$0x0], $0xffff  }
0x102: {  	v8 =	vadd.s32 $0x1C00, v8;
	_ =	sdelay $0x3  }
0x103: {  	[tilespmem:v10+s10+$0x0] =	vst.idx.msk $0xffff, v9  }
0x104: {  	v9 =	vor.u32 s12, v0;
	v8 =	vld.idx.msk [tilespmem:v8+s2+$0x0], $0xffff;
	_ =	sdelay $0x2  }
0x105: {  	s20 =	simm.s32 $0xC00;
	s21 =	simm.s32 $0x0  }
0x106: {  	s13 =	sand.u32 $0x70, s21;
	s12 =	sand.u32 $0xF80, s20  }
0x107: {  	s12 =	sor.u32 s13, s12;
	[tilespmem:v9+s10+$0x0] =	vst.idx.msk $0xffff, v8  }
0x108: {  	v8 =	vld [tilespmem:s12+$0x2000];
	_ =	sdelay $0x1  }
0x109: {  	s22 =	simm.s32 $0x6000  }
0x10a: {  	v9 =	vmov s22  }
0x10b: {  	v9 =	vshrl.u32 v9, $0x7  }
0x10c: {  	v9 =	vshll.u32 v9, $0x7  }
0x10d: {  	v9 =	vbroadcast v9, $0x0;
	_ =	sdelay $0x1  }
0x10e: {  	v9 =	vor.u32 v0, v9;
	v10 =	vld.idx.msk [tilespmem:v8+s2+$0x0], $0xffff  }
0x10f: {  	v11 =	vadd.s32 $0x400, v8;
	_ =	sdelay $0x3  }
0x110: {  	s23 =	simm.s32 $0x6001;
	[tilespmem:v9+s10+$0x0] =	vst.idx.msk $0xffff, v10  }
0x111: {  	v10 =	vor.u32 s23, v0;
	v9 =	vld.idx.msk [tilespmem:v11+s2+$0x0], $0xffff  }
0x112: {  	v11 =	vadd.s32 $0x800, v8;
	_ =	sdelay $0x3  }
0x113: {  	s24 =	simm.s32 $0x6002;
	[tilespmem:v10+s10+$0x0] =	vst.idx.msk $0xffff, v9  }
0x114: {  	v10 =	vor.u32 s24, v0;
	v9 =	vld.idx.msk [tilespmem:v11+s2+$0x0], $0xffff  }
0x115: {  	v11 =	vadd.s32 $0xC00, v8;
	_ =	sdelay $0x3  }
0x116: {  	s25 =	simm.s32 $0x6003;
	[tilespmem:v10+s10+$0x0] =	vst.idx.msk $0xffff, v9  }
0x117: {  	v10 =	vor.u32 s25, v0;
	v9 =	vld.idx.msk [tilespmem:v11+s2+$0x0], $0xffff  }
0x118: {  	v11 =	vadd.s32 $0x1000, v8;
	_ =	sdelay $0x3  }
0x119: {  	s26 =	simm.s32 $0x6004;
	[tilespmem:v10+s10+$0x0] =	vst.idx.msk $0xffff, v9  }
0x11a: {  	v10 =	vor.u32 s26, v0;
	v9 =	vld.idx.msk [tilespmem:v11+s2+$0x0], $0xffff  }
0x11b: {  	v11 =	vadd.s32 $0x1400, v8;
	_ =	sdelay $0x3  }
0x11c: {  	s28 =	simm.s32 $0x6005;
	[tilespmem:v10+s10+$0x0] =	vst.idx.msk $0xffff, v9  }
0x11d: {  	v10 =	vor.u32 s28, v0;
	v9 =	vld.idx.msk [tilespmem:v11+s2+$0x0], $0xffff  }
0x11e: {  	v11 =	vadd.s32 $0x1800, v8;
	_ =	sdelay $0x3  }
0x11f: {  	s29 =	simm.s32 $0x6006;
	[tilespmem:v10+s10+$0x0] =	vst.idx.msk $0xffff, v9  }
0x120: {  	v10 =	vor.u32 s29, v0;
	v9 =	vld.idx.msk [tilespmem:v11+s2+$0x0], $0xffff  }
0x121: {  	v8 =	vadd.s32 $0x1C00, v8;
	_ =	sdelay $0x3  }
0x122: {  	s30 =	simm.s32 $0x6007;
	[tilespmem:v10+s10+$0x0] =	vst.idx.msk $0xffff, v9  }
0x123: {  	v9 =	vor.u32 s30, v0;
	v8 =	vld.idx.msk [tilespmem:v8+s2+$0x0], $0xffff;
	_ =	sdelay $0x1  }
0x124: {  	s31 =	simm.s32 $0x10;
	s14 =	simm.s32 $0x6107;
	s13 =	simm.s32 $0xC10  }
0x125: {  	s16 =	sand.u32 $0x70, s31;
	s15 =	sand.u32 $0xF80, s13;
	s12 =	simm.s32 $0x6087  }
.LBB2_8:
0x126: {  	p0 =	sne.s32 s14, $0x7F87  }
0x127: {  	s16 =	sor.u32 s16, s15;
	[tilespmem:v9+s10+$0x0] =	vst.idx.msk $0xffff, v8;
	s15 =	smov.u32 s14;
	s14 =	sadd.s32 $0x80, s14  }
0x128: {  	v8 =	vld [tilespmem:s16+$0x2000];
	_ =	sdelay $0x2  }
0x129: {  	s16 =	sadd.s32 $0xFFFFFFF9, s12  }
0x12a: {  	v9 =	vmov s16  }
0x12b: {  	v9 =	vshrl.u32 v9, $0x7  }
0x12c: {  	v9 =	vshll.u32 v9, $0x7  }
0x12d: {  	v9 =	vbroadcast v9, $0x0  }
0x12e: {  	v10 =	vld.idx.msk [tilespmem:v8+s2+$0x0], $0xffff  }
0x12f: {  	v9 =	vor.u32 v0, v9  }
0x130: {  	v11 =	vadd.s32 $0x400, v8;
	_ =	sdelay $0x3  }
0x131: {  	[tilespmem:v9+s10+$0x0] =	vst.idx.msk $0xffff, v10  }
0x132: {  	s16 =	sadd.s32 $0xFFFFFFFA, s12;
	v9 =	vld.idx.msk [tilespmem:v11+s2+$0x0], $0xffff  }
0x133: {  	v10 =	vor.u32 s16, v0  }
0x134: {  	v11 =	vadd.s32 $0x800, v8;
	_ =	sdelay $0x3  }
0x135: {  	[tilespmem:v10+s10+$0x0] =	vst.idx.msk $0xffff, v9  }
0x136: {  	s16 =	sadd.s32 $0xFFFFFFFB, s12;
	v9 =	vld.idx.msk [tilespmem:v11+s2+$0x0], $0xffff  }
0x137: {  	v10 =	vor.u32 s16, v0  }
0x138: {  	v11 =	vadd.s32 $0xC00, v8;
	_ =	sdelay $0x3  }
0x139: {  	[tilespmem:v10+s10+$0x0] =	vst.idx.msk $0xffff, v9  }
0x13a: {  	s16 =	sadd.s32 $0xFFFFFFFC, s12;
	v9 =	vld.idx.msk [tilespmem:v11+s2+$0x0], $0xffff  }
0x13b: {  	v10 =	vor.u32 s16, v0  }
0x13c: {  	v11 =	vadd.s32 $0x1000, v8;
	_ =	sdelay $0x3  }
0x13d: {  	[tilespmem:v10+s10+$0x0] =	vst.idx.msk $0xffff, v9  }
0x13e: {  	s16 =	sadd.s32 $0xFFFFFFFD, s12;
	v9 =	vld.idx.msk [tilespmem:v11+s2+$0x0], $0xffff  }
0x13f: {  	v10 =	vor.u32 s16, v0  }
0x140: {  	v11 =	vadd.s32 $0x1400, v8;
	_ =	sdelay $0x3  }
0x141: {  	[tilespmem:v10+s10+$0x0] =	vst.idx.msk $0xffff, v9  }
0x142: {  	s16 =	sadd.s32 $0xFFFFFFFE, s12;
	v9 =	vld.idx.msk [tilespmem:v11+s2+$0x0], $0xffff  }
0x143: {  	v10 =	vor.u32 s16, v0  }
0x144: {  	v11 =	vadd.s32 $0x1800, v8;
	_ =	sdelay $0x3  }
0x145: {  	[tilespmem:v10+s10+$0x0] =	vst.idx.msk $0xffff, v9  }
0x146: {  	s16 =	sadd.s32 $0xFFFFFFFF, s12;
	v9 =	vld.idx.msk [tilespmem:v11+s2+$0x0], $0xffff  }
0x147: {  	v10 =	vor.u32 s16, v0  }
0x148: {  	v8 =	vadd.s32 $0x1C00, v8;
	_ =	sdelay $0x3  }
0x149: {  	[tilespmem:v10+s10+$0x0] =	vst.idx.msk $0xffff, v9  }
0x14a: {  	v8 =	vld.idx.msk [tilespmem:v8+s2+$0x0], $0xffff  }
.Ltmp3:
0x14b: {  	v9 =	vor.u32 s12, v0;
	s12 =	smov.u32 s15;
	(pc) =	sbr.rel @p0 .LBB2_8-.Ltmp3, $4  }
0x14c: {  	_ = 	snop  }
0x14d: {  	s13 =	sadd.s32 $0x10, s13  }
0x14e: {  	s16 =	sadd.s32 $0xFFFFF400, s13  }
0x14f: {  	s16 =	sand.u32 $0x70, s16;
	s15 =	sand.u32 $0xF80, s13  }
0x150: {  	_ =	sdelay $0x3  }
0x151: {  	s13 =	sor.u32 s16, s15;
	[tilespmem:v9+s10+$0x0] =	vst.idx.msk $0xffff, v8  }
0x152: {  	v8 =	vld [tilespmem:s13+$0x2000];
	_ =	sdelay $0x1  }
0x153: {  	s31 =	sadd.s32 $0xFFFFFFF9, s12  }
0x154: {  	v9 =	vmov s31  }
0x155: {  	v9 =	vshrl.u32 v9, $0x7  }
0x156: {  	v9 =	vshll.u32 v9, $0x7  }
0x157: {  	v9 =	vbroadcast v9, $0x0;
	_ =	sdelay $0x1  }
0x158: {  	v9 =	vor.u32 v0, v9;
	v10 =	vld.idx.msk [tilespmem:v8+s2+$0x0], $0xffff  }
0x159: {  	v11 =	vadd.s32 $0x400, v8;
	_ =	sdelay $0x3  }
0x15a: {  	s14 =	sadd.s32 $0xFFFFFFFA, s12;
	[tilespmem:v9+s10+$0x0] =	vst.idx.msk $0xffff, v10  }
0x15b: {  	v10 =	vor.u32 s14, v0;
	v9 =	vld.idx.msk [tilespmem:v11+s2+$0x0], $0xffff  }
0x15c: {  	v11 =	vadd.s32 $0x800, v8;
	_ =	sdelay $0x3  }
0x15d: {  	s15 =	sadd.s32 $0xFFFFFFFB, s12;
	[tilespmem:v10+s10+$0x0] =	vst.idx.msk $0xffff, v9  }
0x15e: {  	v10 =	vor.u32 s15, v0;
	v9 =	vld.idx.msk [tilespmem:v11+s2+$0x0], $0xffff  }
0x15f: {  	v11 =	vadd.s32 $0xC00, v8;
	_ =	sdelay $0x3  }
0x160: {  	s16 =	sadd.s32 $0xFFFFFFFC, s12;
	[tilespmem:v10+s10+$0x0] =	vst.idx.msk $0xffff, v9  }
0x161: {  	v10 =	vor.u32 s16, v0;
	v9 =	vld.idx.msk [tilespmem:v11+s2+$0x0], $0xffff  }
0x162: {  	v11 =	vadd.s32 $0x1000, v8;
	_ =	sdelay $0x3  }
0x163: {  	s17 =	sadd.s32 $0xFFFFFFFD, s12;
	[tilespmem:v10+s10+$0x0] =	vst.idx.msk $0xffff, v9  }
0x164: {  	v10 =	vor.u32 s17, v0;
	v9 =	vld.idx.msk [tilespmem:v11+s2+$0x0], $0xffff  }
0x165: {  	v11 =	vadd.s32 $0x1400, v8;
	_ =	sdelay $0x3  }
0x166: {  	s18 =	sadd.s32 $0xFFFFFFFE, s12;
	[tilespmem:v10+s10+$0x0] =	vst.idx.msk $0xffff, v9  }
0x167: {  	v10 =	vor.u32 s18, v0;
	v9 =	vld.idx.msk [tilespmem:v11+s2+$0x0], $0xffff  }
0x168: {  	v11 =	vadd.s32 $0x1800, v8;
	_ =	sdelay $0x3  }
0x169: {  	s19 =	sadd.s32 $0xFFFFFFFF, s12;
	[tilespmem:v10+s10+$0x0] =	vst.idx.msk $0xffff, v9  }
0x16a: {  	v10 =	vor.u32 s19, v0;
	v9 =	vld.idx.msk [tilespmem:v11+s2+$0x0], $0xffff  }
0x16b: {  	v8 =	vadd.s32 $0x1C00, v8;
	_ =	sdelay $0x3  }
0x16c: {  	[tilespmem:v10+s10+$0x0] =	vst.idx.msk $0xffff, v9  }
0x16d: {  	v9 =	vor.u32 s12, v0;
	v8 =	vld.idx.msk [tilespmem:v8+s2+$0x0], $0xffff;
	_ =	sdelay $0x2  }
0x16e: {  	s20 =	simm.s32 $0x1000;
	s21 =	simm.s32 $0x0  }
0x16f: {  	s13 =	sand.u32 $0x70, s21;
	s12 =	sand.u32 $0x1380, s20  }
0x170: {  	s12 =	sor.u32 s13, s12;
	[tilespmem:v9+s10+$0x0] =	vst.idx.msk $0xffff, v8  }
0x171: {  	v8 =	vld [tilespmem:s12+$0x2000];
	_ =	sdelay $0x1  }
0x172: {  	s22 =	simm.s32 $0x8000  }
0x173: {  	v9 =	vmov s22  }
0x174: {  	v9 =	vshrl.u32 v9, $0x7  }
0x175: {  	v9 =	vshll.u32 v9, $0x7  }
0x176: {  	v9 =	vbroadcast v9, $0x0;
	_ =	sdelay $0x1  }
0x177: {  	v9 =	vor.u32 v0, v9;
	v10 =	vld.idx.msk [tilespmem:v8+s2+$0x0], $0xffff  }
0x178: {  	v11 =	vadd.s32 $0x400, v8;
	_ =	sdelay $0x3  }
0x179: {  	s23 =	simm.s32 $0x8001;
	[tilespmem:v9+s10+$0x0] =	vst.idx.msk $0xffff, v10  }
0x17a: {  	v10 =	vor.u32 s23, v0;
	v9 =	vld.idx.msk [tilespmem:v11+s2+$0x0], $0xffff  }
0x17b: {  	v11 =	vadd.s32 $0x800, v8;
	_ =	sdelay $0x3  }
0x17c: {  	s24 =	simm.s32 $0x8002;
	[tilespmem:v10+s10+$0x0] =	vst.idx.msk $0xffff, v9  }
0x17d: {  	v10 =	vor.u32 s24, v0;
	v9 =	vld.idx.msk [tilespmem:v11+s2+$0x0], $0xffff  }
0x17e: {  	v11 =	vadd.s32 $0xC00, v8;
	_ =	sdelay $0x3  }
0x17f: {  	s25 =	simm.s32 $0x8003;
	[tilespmem:v10+s10+$0x0] =	vst.idx.msk $0xffff, v9  }
0x180: {  	v10 =	vor.u32 s25, v0;
	v9 =	vld.idx.msk [tilespmem:v11+s2+$0x0], $0xffff  }
0x181: {  	v11 =	vadd.s32 $0x1000, v8;
	_ =	sdelay $0x3  }
0x182: {  	s26 =	simm.s32 $0x8004;
	[tilespmem:v10+s10+$0x0] =	vst.idx.msk $0xffff, v9  }
0x183: {  	v10 =	vor.u32 s26, v0;
	v9 =	vld.idx.msk [tilespmem:v11+s2+$0x0], $0xffff  }
0x184: {  	v11 =	vadd.s32 $0x1400, v8;
	_ =	sdelay $0x3  }
0x185: {  	s28 =	simm.s32 $0x8005;
	[tilespmem:v10+s10+$0x0] =	vst.idx.msk $0xffff, v9  }
0x186: {  	v10 =	vor.u32 s28, v0;
	v9 =	vld.idx.msk [tilespmem:v11+s2+$0x0], $0xffff  }
0x187: {  	v11 =	vadd.s32 $0x1800, v8;
	_ =	sdelay $0x3  }
0x188: {  	s29 =	simm.s32 $0x8006;
	[tilespmem:v10+s10+$0x0] =	vst.idx.msk $0xffff, v9  }
0x189: {  	v10 =	vor.u32 s29, v0;
	v9 =	vld.idx.msk [tilespmem:v11+s2+$0x0], $0xffff  }
0x18a: {  	v8 =	vadd.s32 $0x1C00, v8;
	_ =	sdelay $0x3  }
0x18b: {  	s30 =	simm.s32 $0x8007;
	[tilespmem:v10+s10+$0x0] =	vst.idx.msk $0xffff, v9  }
0x18c: {  	v9 =	vor.u32 s30, v0;
	v8 =	vld.idx.msk [tilespmem:v8+s2+$0x0], $0xffff;
	_ =	sdelay $0x1  }
0x18d: {  	s31 =	simm.s32 $0x10;
	s14 =	simm.s32 $0x8107;
	s13 =	simm.s32 $0x1010  }
0x18e: {  	s16 =	sand.u32 $0x70, s31;
	s15 =	sand.u32 $0x1380, s13;
	s12 =	simm.s32 $0x8087  }
.LBB2_10:
0x18f: {  	p0 =	sne.s32 s14, $0x9F87  }
0x190: {  	s16 =	sor.u32 s16, s15;
	[tilespmem:v9+s10+$0x0] =	vst.idx.msk $0xffff, v8;
	s15 =	smov.u32 s14;
	s14 =	sadd.s32 $0x80, s14  }
0x191: {  	v8 =	vld [tilespmem:s16+$0x2000];
	_ =	sdelay $0x2  }
0x192: {  	s16 =	sadd.s32 $0xFFFFFFF9, s12  }
0x193: {  	v9 =	vmov s16  }
0x194: {  	v9 =	vshrl.u32 v9, $0x7  }
0x195: {  	v9 =	vshll.u32 v9, $0x7  }
0x196: {  	v9 =	vbroadcast v9, $0x0  }
0x197: {  	v10 =	vld.idx.msk [tilespmem:v8+s2+$0x0], $0xffff  }
0x198: {  	v9 =	vor.u32 v0, v9  }
0x199: {  	v11 =	vadd.s32 $0x400, v8;
	_ =	sdelay $0x3  }
0x19a: {  	[tilespmem:v9+s10+$0x0] =	vst.idx.msk $0xffff, v10  }
0x19b: {  	s16 =	sadd.s32 $0xFFFFFFFA, s12;
	v9 =	vld.idx.msk [tilespmem:v11+s2+$0x0], $0xffff  }
0x19c: {  	v10 =	vor.u32 s16, v0  }
0x19d: {  	v11 =	vadd.s32 $0x800, v8;
	_ =	sdelay $0x3  }
0x19e: {  	[tilespmem:v10+s10+$0x0] =	vst.idx.msk $0xffff, v9  }
0x19f: {  	s16 =	sadd.s32 $0xFFFFFFFB, s12;
	v9 =	vld.idx.msk [tilespmem:v11+s2+$0x0], $0xffff  }
0x1a0: {  	v10 =	vor.u32 s16, v0  }
0x1a1: {  	v11 =	vadd.s32 $0xC00, v8;
	_ =	sdelay $0x3  }
0x1a2: {  	[tilespmem:v10+s10+$0x0] =	vst.idx.msk $0xffff, v9  }
0x1a3: {  	s16 =	sadd.s32 $0xFFFFFFFC, s12;
	v9 =	vld.idx.msk [tilespmem:v11+s2+$0x0], $0xffff  }
0x1a4: {  	v10 =	vor.u32 s16, v0  }
0x1a5: {  	v11 =	vadd.s32 $0x1000, v8;
	_ =	sdelay $0x3  }
0x1a6: {  	[tilespmem:v10+s10+$0x0] =	vst.idx.msk $0xffff, v9  }
0x1a7: {  	s16 =	sadd.s32 $0xFFFFFFFD, s12;
	v9 =	vld.idx.msk [tilespmem:v11+s2+$0x0], $0xffff  }
0x1a8: {  	v10 =	vor.u32 s16, v0  }
0x1a9: {  	v11 =	vadd.s32 $0x1400, v8;
	_ =	sdelay $0x3  }
0x1aa: {  	[tilespmem:v10+s10+$0x0] =	vst.idx.msk $0xffff, v9  }
0x1ab: {  	s16 =	sadd.s32 $0xFFFFFFFE, s12;
	v9 =	vld.idx.msk [tilespmem:v11+s2+$0x0], $0xffff  }
0x1ac: {  	v10 =	vor.u32 s16, v0  }
0x1ad: {  	v11 =	vadd.s32 $0x1800, v8;
	_ =	sdelay $0x3  }
0x1ae: {  	[tilespmem:v10+s10+$0x0] =	vst.idx.msk $0xffff, v9  }
0x1af: {  	s16 =	sadd.s32 $0xFFFFFFFF, s12;
	v9 =	vld.idx.msk [tilespmem:v11+s2+$0x0], $0xffff  }
0x1b0: {  	v10 =	vor.u32 s16, v0  }
0x1b1: {  	v8 =	vadd.s32 $0x1C00, v8;
	_ =	sdelay $0x3  }
0x1b2: {  	[tilespmem:v10+s10+$0x0] =	vst.idx.msk $0xffff, v9  }
0x1b3: {  	v8 =	vld.idx.msk [tilespmem:v8+s2+$0x0], $0xffff  }
.Ltmp4:
0x1b4: {  	v9 =	vor.u32 s12, v0;
	s12 =	smov.u32 s15;
	(pc) =	sbr.rel @p0 .LBB2_10-.Ltmp4, $4  }
0x1b5: {  	_ = 	snop  }
0x1b6: {  	s13 =	sadd.s32 $0x10, s13  }
0x1b7: {  	s16 =	sadd.s32 $0xFFFFF000, s13  }
0x1b8: {  	s16 =	sand.u32 $0x70, s16;
	s15 =	sand.u32 $0x1380, s13  }
0x1b9: {  	_ =	sdelay $0x3  }
0x1ba: {  	s13 =	sor.u32 s16, s15;
	[tilespmem:v9+s10+$0x0] =	vst.idx.msk $0xffff, v8  }
0x1bb: {  	v8 =	vld [tilespmem:s13+$0x2000];
	_ =	sdelay $0x1  }
0x1bc: {  	s24 =	sadd.s32 $0xFFFFFFF9, s12  }
0x1bd: {  	v51 =	vmov s24  }
0x1be: {  	v9 =	vshrl.u32 v51, $0x7  }
0x1bf: {  	v9 =	vshll.u32 v9, $0x7  }
0x1c0: {  	v9 =	vbroadcast v9, $0x0;
	_ =	sdelay $0x1  }
0x1c1: {  	v9 =	vor.u32 v0, v9;
	v10 =	vld.idx.msk [tilespmem:v8+s2+$0x0], $0xffff  }
0x1c2: {  	v11 =	vadd.s32 $0x400, v8;
	_ =	sdelay $0x3  }
0x1c3: {  	s25 =	sadd.s32 $0xFFFFFFFA, s12;
	[tilespmem:v9+s10+$0x0] =	vst.idx.msk $0xffff, v10  }
0x1c4: {  	v52 =	vor.u32 s25, v0;
	v9 =	vld.idx.msk [tilespmem:v11+s2+$0x0], $0xffff  }
0x1c5: {  	v53 =	vadd.s32 $0x800, v8;
	_ =	sdelay $0x3  }
0x1c6: {  	s26 =	sadd.s32 $0xFFFFFFFB, s12;
	[tilespmem:v52+s10+$0x0] =	vst.idx.msk $0xffff, v9  }
0x1c7: {  	v54 =	vor.u32 s26, v0;
	v9 =	vld.idx.msk [tilespmem:v53+s2+$0x0], $0xffff  }
0x1c8: {  	v55 =	vadd.s32 $0xC00, v8;
	_ =	sdelay $0x3  }
0x1c9: {  	s28 =	sadd.s32 $0xFFFFFFFC, s12;
	[tilespmem:v54+s10+$0x0] =	vst.idx.msk $0xffff, v9  }
0x1ca: {  	v56 =	vor.u32 s28, v0;
	v9 =	vld.idx.msk [tilespmem:v55+s2+$0x0], $0xffff  }
0x1cb: {  	v57 =	vadd.s32 $0x1000, v8;
	_ =	sdelay $0x3  }
0x1cc: {  	s29 =	sadd.s32 $0xFFFFFFFD, s12;
	[tilespmem:v56+s10+$0x0] =	vst.idx.msk $0xffff, v9  }
0x1cd: {  	v58 =	vor.u32 s29, v0;
	v9 =	vld.idx.msk [tilespmem:v57+s2+$0x0], $0xffff  }
0x1ce: {  	v59 =	vadd.s32 $0x1400, v8;
	_ =	sdelay $0x3  }
0x1cf: {  	s30 =	sadd.s32 $0xFFFFFFFE, s12;
	[tilespmem:v58+s10+$0x0] =	vst.idx.msk $0xffff, v9  }
0x1d0: {  	v60 =	vor.u32 s30, v0;
	v9 =	vld.idx.msk [tilespmem:v59+s2+$0x0], $0xffff  }
0x1d1: {  	v61 =	vadd.s32 $0x1800, v8;
	_ =	sdelay $0x3  }
0x1d2: {  	s31 =	sadd.s32 $0xFFFFFFFF, s12;
	[tilespmem:v60+s10+$0x0] =	vst.idx.msk $0xffff, v9  }
0x1d3: {  	v62 =	vor.u32 s31, v0;
	v9 =	vld.idx.msk [tilespmem:v61+s2+$0x0], $0xffff  }
0x1d4: {  	v8 =	vadd.s32 $0x1C00, v8;
	_ =	sdelay $0x3  }
0x1d5: {  	[tilespmem:v62+s10+$0x0] =	vst.idx.msk $0xffff, v9  }
0x1d6: {  	v63 =	vor.u32 s12, v0;
	v8 =	vld.idx.msk [tilespmem:v8+s2+$0x0], $0xffff;
	_ =	sdelay $0x2  }
0x1d7: {  	s11 =	sadd.s32 $0x1, s11  }
0x1d8: {  	p0 =	sne.s32 s11, s6  }
.Ltmp5:
0x1d9: {  	[tilespmem:v63+s10+$0x0] =	vst.idx.msk $0xffff, v8;
	(pc) =	sbr.rel @p0 .LBB2_1-.Ltmp5, $4  }
0x1da: {  	[hbm4b:s5+s7] =	stream.strided.scatter [tilespmem:s10], [sflag:$0x1], $0xA000, s8, s7, $0x38;
	[tilespmem:$0xD400] =	vst v63  }
0x1db: {  	_ =	swait.ge [sflag:s9], $0xA000  }
0x1dc: {  	[sflag:s9] =	ssyncset.done $0x0  }
0x1dd: {  	[sflag:s9] =	ssyncadd.s32 $0xFFFF6000  }
0x1de: {  	_ =	sfence.sel $0x180000  }
0x1df: {  	[bflag:$0x0] =	sbarrier.arrive $0xFFFF  }
0x1e0: {  	p0 =	sne.s32 s0, $0x0;
	_ =	strace $0x90000047  }
0x1e1: {  	s0 =	sadd.s32 @!p0 $0x100000, s1;
	[bflag:$0x2] =	sbarrier.arrive $0xFFFF  }
0x1e2: {  	[sflag:s0] =	ssyncadd.tile.s32 @!p0 $0x1;
	_ =	shalt  }
.Lfunc_end2:
_tile_overlayer_lowered:
.L_overlay_start_2:
0x1e3: {  	(tag) =	ssettag $0x2  }
0x1e4: {  	s0 =	rddreg [dreg:$0x0];
	s2 =	stileid.u32  }
0x1e5: {  	s1 =	rddreg [dreg:$0x1];
	p0 =	sne.s32 s2, $0x0  }
0x1e6: {  	s3 =	rddreg [dreg:$0x2];
	[bflag:$0x3] =	sbarrier.arrive $0xFFFF;
	s2 =	simm.s32 @!p0 $0x1C01  }
0x1e7: {  	[timem:s3], [sflag:s2] =	dma.local @!p0 [hbm:s0], s1  }
0x1e8: {  	s0 =	simm.s32 @!p0 $0x1  }
0x1e9: {  	_ =	swait.ge @!p0 [sflag:s0], s1  }
0x1ea: {  	s1 =	ssub.s32 @!p0 $0x0, s1;
	[sflag:s0] =	ssyncset.done @!p0 $0x0  }
0x1eb: {  	[sflag:s0] =	ssyncadd.s32 @!p0 s1  }
0x1ec: {  	[bflag:$0x3] =	sbarrier.arrive $0xFFFF  }
0x1ed: {  	_ =	shalt  }

</sc_bundles>
